<compile_context>
chip_gen: v7x
topology: tpu7x:2x2x1
jax: 0.10.2.dev20260603
libtpu: 0.0.44.dev20260713+nightly
codegen_flags: <defaults>
</compile_context>

<pallas_src>
import jax
import jax.numpy as jnp
from jax import lax
from jax.experimental import pallas as pl
from jax.experimental.pallas import tpu as pltpu
from jax.experimental.pallas import tpu_sc as plsc

N = 10000
D = 128
E = 320000
G = 64

NC = 2
NS = 16
NW = NC * NS
CHUNK = 128
CPT = -(-E // (NW * CHUNK))
EPAD = NW * CPT * CHUNK
ROWS_PER_TILE = 632
AGG_ROWS = ROWS_PER_TILE * NS

BLK = 1000
NBLK = N // BLK


def _sc_agg_body(h_hbm, src_hbm, dst_hbm, zeros_hbm,
                 out0_hbm, out1_hbm,
                 src_v, dst_v, rows_v, agg_sh, sem):
    c = lax.axis_index("c")
    s = lax.axis_index("s")
    wid = s * NC + c

    pltpu.sync_copy(zeros_hbm, agg_sh.at[pl.ds(s * ROWS_PER_TILE,
                                               ROWS_PER_TILE)])
    pltpu.sync_copy(src_hbm.at[wid], src_v)
    pltpu.sync_copy(dst_hbm.at[wid], dst_v)
    plsc.subcore_barrier()

    def step(i, carry):
        pltpu.async_copy(h_hbm.at[src_v.at[i]], rows_v, sem).wait()
        pltpu.sync_copy(rows_v, agg_sh.at[dst_v.at[i]], add=True)
        return carry

    lax.fori_loop(0, CPT, step, 0)
    plsc.subcore_barrier()

    row0 = s * ROWS_PER_TILE

    @pl.when(c == 0)
    def _():
        pltpu.sync_copy(agg_sh.at[pl.ds(row0, ROWS_PER_TILE)],
                        out0_hbm.at[pl.ds(row0, ROWS_PER_TILE)])

    @pl.when(c == 1)
    def _():
        pltpu.sync_copy(agg_sh.at[pl.ds(row0, ROWS_PER_TILE)],
                        out1_hbm.at[pl.ds(row0, ROWS_PER_TILE)])


_sc_aggregate = pl.kernel(
    _sc_agg_body,
    out_type=(jax.ShapeDtypeStruct((AGG_ROWS, D), jnp.float32),
              jax.ShapeDtypeStruct((AGG_ROWS, D), jnp.float32)),
    mesh=plsc.VectorSubcoreMesh(core_axis_name="c", subcore_axis_name="s"),
    scratch_types=[
        pltpu.VMEM((CPT, CHUNK), jnp.int32),
        pltpu.VMEM((CPT, CHUNK), jnp.int32),
        pltpu.VMEM((CHUNK, D), jnp.float32),
        pltpu.VMEM_SHARED((AGG_ROWS, D), jnp.float32),
        pltpu.SemaphoreType.DMA,
    ],
)


def _mlp_body(x_ref, p0_ref, p1_ref, w1_ref, b1_ref, w2_ref, b2_ref,
              hpre_ref, stats_ref):
    i = pl.program_id(0)
    u = x_ref[...] + p0_ref[...] + p1_ref[...]
    a = jnp.maximum(
        jnp.dot(u, w1_ref[...], preferred_element_type=jnp.float32)
        + b1_ref[...], 0.0)
    hp = (jnp.dot(a, w2_ref[...], preferred_element_type=jnp.float32)
          + b2_ref[...])
    hpre_ref[...] = hp
    part = jnp.concatenate([jnp.sum(hp, 0, keepdims=True),
                            jnp.sum(hp * hp, 0, keepdims=True)], axis=0)

    @pl.when(i == 0)
    def _():
        stats_ref[...] = part

    @pl.when(i > 0)
    def _():
        stats_ref[...] = stats_ref[...] + part


_mlp_call = pl.pallas_call(
    _mlp_body,
    grid=(NBLK,),
    in_specs=[
        pl.BlockSpec((BLK, D), lambda i: (i, 0)),
        pl.BlockSpec((BLK, D), lambda i: (i, 0)),
        pl.BlockSpec((BLK, D), lambda i: (i, 0)),
        pl.BlockSpec((D, D), lambda i: (0, 0)),
        pl.BlockSpec((1, D), lambda i: (0, 0)),
        pl.BlockSpec((D, D), lambda i: (0, 0)),
        pl.BlockSpec((1, D), lambda i: (0, 0)),
    ],
    out_specs=[
        pl.BlockSpec((BLK, D), lambda i: (i, 0)),
        pl.BlockSpec((2, D), lambda i: (0, 0)),
    ],
    out_shape=[
        jax.ShapeDtypeStruct((N, D), jnp.float32),
        jax.ShapeDtypeStruct((2, D), jnp.float32),
    ],
)


def _bn_stats(stats):
    mean = stats[0:1, :] * (1.0 / N)
    var = stats[1:2, :] * (1.0 / N) - mean * mean
    inv = lax.rsqrt(var + 1e-5)
    return mean, inv


def _bn_body(hp_ref, stats_ref, g_ref, b_ref, out_ref):
    mean, inv = _bn_stats(stats_ref[...])
    out_ref[...] = jnp.maximum(
        (hp_ref[...] - mean) * inv * g_ref[...] + b_ref[...], 0.0)


_bn_call = pl.pallas_call(
    _bn_body,
    grid=(NBLK,),
    in_specs=[
        pl.BlockSpec((BLK, D), lambda i: (i, 0)),
        pl.BlockSpec((2, D), lambda i: (0, 0)),
        pl.BlockSpec((1, D), lambda i: (0, 0)),
        pl.BlockSpec((1, D), lambda i: (0, 0)),
    ],
    out_specs=pl.BlockSpec((BLK, D), lambda i: (i, 0)),
    out_shape=jax.ShapeDtypeStruct((N, D), jnp.float32),
)


def _pool_body(hp_ref, stats_ref, g_ref, b_ref, bidx_ref,
               pw1_ref, pb1_ref, pw2_ref, pb2_ref,
               out_ref, accp_ref, accc_ref):
    i = pl.program_id(0)
    mean, inv = _bn_stats(stats_ref[...])
    h = jnp.maximum(
        (hp_ref[...] - mean) * inv * g_ref[...] + b_ref[...], 0.0)
    onehot_t = (lax.broadcasted_iota(jnp.int32, (G, BLK), 0)
                == bidx_ref[0]).astype(jnp.float32)
    pp = jnp.dot(onehot_t, h, preferred_element_type=jnp.float32)
    cnt = jnp.sum(onehot_t, axis=1, keepdims=True)
    pc = jnp.broadcast_to(cnt, (G, D))

    @pl.when(i == 0)
    def _():
        accp_ref[...] = pp
        accc_ref[...] = pc

    @pl.when(i > 0)
    def _():
        accp_ref[...] = accp_ref[...] + pp
        accc_ref[...] = accc_ref[...] + pc

    @pl.when(i == NBLK - 1)
    def _():
        pooled = accp_ref[...] / jnp.maximum(accc_ref[...], 1.0)
        a = jnp.maximum(
            jnp.dot(pooled, pw1_ref[...], preferred_element_type=jnp.float32)
            + pb1_ref[...], 0.0)
        out_ref[...] = (jnp.dot(a, pw2_ref[...],
                                preferred_element_type=jnp.float32)
                        + pb2_ref[...])


def _make_pool_call(T):
    return pl.pallas_call(
        _pool_body,
        grid=(NBLK,),
        in_specs=[
            pl.BlockSpec((BLK, D), lambda i: (i, 0)),
            pl.BlockSpec((2, D), lambda i: (0, 0)),
            pl.BlockSpec((1, D), lambda i: (0, 0)),
            pl.BlockSpec((1, D), lambda i: (0, 0)),
            pl.BlockSpec((1, 1, BLK), lambda i: (i, 0, 0)),
            pl.BlockSpec((D, D), lambda i: (0, 0)),
            pl.BlockSpec((1, D), lambda i: (0, 0)),
            pl.BlockSpec((D, T), lambda i: (0, 0)),
            pl.BlockSpec((1, T), lambda i: (0, 0)),
        ],
        out_specs=pl.BlockSpec((G, T), lambda i: (0, 0)),
        out_shape=jax.ShapeDtypeStruct((G, T), jnp.float32),
        scratch_shapes=[
            pltpu.VMEM((G, D), jnp.float32),
            pltpu.VMEM((G, D), jnp.float32),
        ],
    )


def kernel(x, edge_index, batch_idx,
           l0_W1, l0_b1, l0_W2, l0_b2, l0_gamma, l0_beta,
           l1_W1, l1_b1, l1_W2, l1_b2, l1_gamma, l1_beta,
           l2_W1, l2_b1, l2_W2, l2_b2, l2_gamma, l2_beta,
           p_W1, p_b1, p_W2, p_b2):
    T = p_W2.shape[1]
    src = edge_index[0]
    dst = edge_index[1]
    pad = EPAD - E
    src_p = jnp.concatenate(
        [src, jnp.zeros((pad,), jnp.int32)]).reshape(NW, CPT, CHUNK)
    dst_p = jnp.concatenate(
        [dst, jnp.full((pad,), N, jnp.int32)]).reshape(NW, CPT, CHUNK)
    zeros_blk = jnp.zeros((ROWS_PER_TILE, D), jnp.float32)
    bidx = batch_idx.reshape(NBLK, 1, BLK)

    layers = (
        (l0_W1, l0_b1, l0_W2, l0_b2, l0_gamma, l0_beta),
        (l1_W1, l1_b1, l1_W2, l1_b2, l1_gamma, l1_beta),
        (l2_W1, l2_b1, l2_W2, l2_b2, l2_gamma, l2_beta),
    )

    h = x
    for li, (W1, b1, W2, b2, gamma, beta) in enumerate(layers):
        p0, p1 = _sc_aggregate(h, src_p, dst_p, zeros_blk)
        hpre, stats = _mlp_call(h, p0, p1,
                                W1, b1.reshape(1, D), W2, b2.reshape(1, D))
        if li < 2:
            h = _bn_call(hpre, stats,
                         gamma.reshape(1, D), beta.reshape(1, D))
    out = _make_pool_call(T)(
        hpre, stats, l2_gamma.reshape(1, D), l2_beta.reshape(1, D), bidx,
        p_W1, p_b1.reshape(1, D), p_W2, p_b2.reshape(1, T))
    return out

# --- scband reference (transcript-rebuilt; emitter-appended) ---
"""Pipeline reference for scband-ginmodel-12764642804258 (READ-ONLY COPY).

The authoritative reference and input builder live on the scoring server;
editing this copy changes nothing except your own understanding.
"""

import jax, jax.numpy as jnp
import numpy as np

N = 10000; E = 320000; D = 128; G = 64; T = 12

def setup_inputs(seed: int = 0) -> dict:
    key = jax.random.key(seed)
    ks = jax.random.split(key, 32)
    inp = {}
    inp["x"] = jax.random.normal(ks[0], (N, D), dtype=jnp.float32)
    inp["edge_index"] = jax.random.randint(ks[1], (2, E), 0, N, dtype=jnp.int32)
    inp["batch_idx"] = jnp.sort(jax.random.randint(ks[2], (N,), 0, G, dtype=jnp.int32))
    k = 3
    for i in range(3):
        inp[f"l{i}_W1"] = jax.random.normal(ks[k], (D, D), dtype=jnp.float32) * 0.05; k += 1
        inp[f"l{i}_b1"] = jnp.zeros((D,), dtype=jnp.float32)
        inp[f"l{i}_W2"] = jax.random.normal(ks[k], (D, D), dtype=jnp.float32) * 0.05; k += 1
        inp[f"l{i}_b2"] = jnp.zeros((D,), dtype=jnp.float32)
        inp[f"l{i}_gamma"] = jnp.ones((D,), dtype=jnp.float32)
        inp[f"l{i}_beta"] = jnp.zeros((D,), dtype=jnp.float32)
    inp["p_W1"] = jax.random.normal(ks[k], (D, D), dtype=jnp.float32) * 0.05; k += 1
    inp["p_b1"] = jnp.zeros((D,), dtype=jnp.float32)
    inp["p_W2"] = jax.random.normal(ks[k], (D, T), dtype=jnp.float32) * 0.05; k += 1
    inp["p_b2"] = jnp.zeros((T,), dtype=jnp.float32)
    return inp

def _gin_layer(x, src, dst, W1, b1, W2, b2, gamma, beta):
    # GINConv with eps=0: h_i = MLP(x_i + sum_{j in N(i)} x_j)
    agg = jnp.zeros_like(x).at[dst].add(x[src])
    h = x + agg
    h = jnp.maximum(h @ W1 + b1, 0.0)
    h = h @ W2 + b2
    # BatchNorm1d (training-mode batch statistics over nodes)
    mean = jnp.mean(h, axis=0)
    var = jnp.var(h, axis=0)
    h = (h - mean) / jnp.sqrt(var + 1e-5) * gamma + beta
    return jnp.maximum(h, 0.0)

def reference(x, edge_index, batch_idx,
              l0_W1, l0_b1, l0_W2, l0_b2, l0_gamma, l0_beta,
              l1_W1, l1_b1, l1_W2, l1_b2, l1_gamma, l1_beta,
              l2_W1, l2_b1, l2_W2, l2_b2, l2_gamma, l2_beta,
              p_W1, p_b1, p_W2, p_b2):
    src = edge_index[0]; dst = edge_index[1]
    h = _gin_layer(x, src, dst, l0_W1, l0_b1, l0_W2, l0_b2, l0_gamma, l0_beta)
    h = _gin_layer(h, src, dst, l1_W1, l1_b1, l1_W2, l1_b2, l1_gamma, l1_beta)
    h = _gin_layer(h, src, dst, l2_W1, l2_b1, l2_W2, l2_b2, l2_gamma, l2_beta)
    # global_mean_pool
    sums = jax.ops.segment_sum(h, batch_idx, num_segments=G)
    counts = jax.ops.segment_sum(jnp.ones((N,), dtype=jnp.float32), batch_idx, num_segments=G)
    pooled = sums / jnp.maximum(counts, 1.0)[:, None]
    # predictor MLP (dropout=0.0)
    out = jnp.maximum(pooled @ p_W1 + p_b1, 0.0)
    return out @ p_W2 + p_b2

if __name__ == "__main__":
    import jax
    _d = setup_inputs()
    print(jax.jit(kernel)(*tuple(_d.values())))

</pallas_src>

<mosaic_0001>
#map = affine_map<(d0, d1) -> (0, 0)>
#map1 = affine_map<(d0, d1) -> (0, 0, 0)>
module attributes {stable_mosaic.version = 14 : i64} {
  func.func @_sc_agg_body(%arg0: i32, %arg1: i32, %arg2: memref<10000x128xf32, #tpu.memory_space<hbm>>, %arg3: memref<32x79x128xi32, #tpu.memory_space<hbm>>, %arg4: memref<32x79x128xi32, #tpu.memory_space<hbm>>, %arg5: memref<632x128xf32, #tpu.memory_space<hbm>>, %arg6: memref<10112x128xf32, #tpu.memory_space<hbm>>, %arg7: memref<10112x128xf32, #tpu.memory_space<hbm>>, %arg8: memref<79x128xi32, #tpu.memory_space<vmem>>, %arg9: memref<79x128xi32, #tpu.memory_space<vmem>>, %arg10: memref<128x128xf32, #tpu.memory_space<vmem>>, %arg11: memref<10112x128xf32, #tpu.memory_space<vmem_shared>>, %arg12: memref<!tpu.dma_semaphore, #tpu.memory_space<semaphore_mem>>) attributes {dimension_semantics = [#tpu.dimension_semantics<core_parallel>, #tpu.dimension_semantics<subcore_parallel>], iteration_bounds = array<i64: 2, 16>, scalar_prefetch = 0 : i64, scratch_operands = 5 : i64, tpu.core_type = #tpu.core_type<sc_vector_subcore>, window_params = [{transform_indices = #map}, {transform_indices = #map1}, {transform_indices = #map1}, {transform_indices = #map}, {transform_indices = #map}, {transform_indices = #map}]} {
    %mul3A = arith.constant 2 : i32
    %mul3A_0 = arith.muli %arg1, %mul3A : i32
    %add3A = arith.addi %mul3A_0, %arg0 : i32
    %mul3A_1 = arith.constant 632 : i32
    %mul3A_2 = arith.muli %arg1, %mul3A_1 : i32
    "tpu.region"() ({
      %run_scoped3A = tpu.sem_alloc : memref<!tpu.dma_semaphore, #tpu.memory_space<semaphore_mem>>
      %dma_start3A = arith.constant 0 : i32
      %dma_start3A_18 = tpu.memref_slice %arg11[%mul3A_2, %dma_start3A] : memref<10112x128xf32, #tpu.memory_space<vmem_shared>> -> memref<632x128xf32, #tpu.memory_space<vmem_shared>>
      tpu.enqueue_dma source(%arg5 : memref<632x128xf32, #tpu.memory_space<hbm>>) target(%dma_start3A_18 : memref<632x128xf32, #tpu.memory_space<vmem_shared>>) target_semaphore(%run_scoped3A : memref<!tpu.dma_semaphore, #tpu.memory_space<semaphore_mem>>)
      %dma_wait3A = arith.constant 0 : i32
      %dma_wait3A_19 = tpu.memref_slice %arg11[%mul3A_2, %dma_wait3A] : memref<10112x128xf32, #tpu.memory_space<vmem_shared>> -> memref<632x128xf32, #tpu.memory_space<vmem_shared>>
      tpu.wait_dma2 semaphore(%run_scoped3A : memref<!tpu.dma_semaphore, #tpu.memory_space<semaphore_mem>>) src(%arg5 : memref<632x128xf32, #tpu.memory_space<hbm>>) dst(%dma_wait3A_19 : memref<632x128xf32, #tpu.memory_space<vmem_shared>>)
      tpu.yield
    }) : () -> ()
    "tpu.region"() ({
      %run_scoped3A = tpu.sem_alloc : memref<!tpu.dma_semaphore, #tpu.memory_space<semaphore_mem>>
      %dma_start3A = arith.constant 0 : i32
      %dma_start3A_18 = arith.constant 0 : i32
      %dma_start3A_19 = tpu.memref_slice %arg3[%add3A, %dma_start3A, %dma_start3A_18] : memref<32x79x128xi32, #tpu.memory_space<hbm>> -> memref<1x79x128xi32, #tpu.memory_space<hbm>>
      %dma_start3A_20 = tpu.memref_squeeze %dma_start3A_19 : memref<1x79x128xi32, #tpu.memory_space<hbm>> -> memref<79x128xi32, #tpu.memory_space<hbm>>
      %dma_start3A_21 = arith.constant 0 : i32
      %dma_start3A_22 = arith.constant 0 : i32
      %dma_start3A_23 = tpu.memref_slice %arg3[%add3A, %dma_start3A_21, %dma_start3A_22] : memref<32x79x128xi32, #tpu.memory_space<hbm>> -> memref<1x79x128xi32, #tpu.memory_space<hbm>>
      %dma_start3A_24 = tpu.memref_squeeze %dma_start3A_23 : memref<1x79x128xi32, #tpu.memory_space<hbm>> -> memref<79x128xi32, #tpu.memory_space<hbm>>
      tpu.enqueue_dma source(%dma_start3A_24 : memref<79x128xi32, #tpu.memory_space<hbm>>) target(%arg8 : memref<79x128xi32, #tpu.memory_space<vmem>>) target_semaphore(%run_scoped3A : memref<!tpu.dma_semaphore, #tpu.memory_space<semaphore_mem>>)
      %dma_wait3A = arith.constant 0 : i32
      %dma_wait3A_25 = arith.constant 0 : i32
      %dma_wait3A_26 = tpu.memref_slice %arg3[%add3A, %dma_wait3A, %dma_wait3A_25] : memref<32x79x128xi32, #tpu.memory_space<hbm>> -> memref<1x79x128xi32, #tpu.memory_space<hbm>>
      %dma_wait3A_27 = tpu.memref_squeeze %dma_wait3A_26 : memref<1x79x128xi32, #tpu.memory_space<hbm>> -> memref<79x128xi32, #tpu.memory_space<hbm>>
      %dma_wait3A_28 = arith.constant 0 : i32
      %dma_wait3A_29 = arith.constant 0 : i32
      %dma_wait3A_30 = tpu.memref_slice %arg3[%add3A, %dma_wait3A_28, %dma_wait3A_29] : memref<32x79x128xi32, #tpu.memory_space<hbm>> -> memref<1x79x128xi32, #tpu.memory_space<hbm>>
      %dma_wait3A_31 = tpu.memref_squeeze %dma_wait3A_30 : memref<1x79x128xi32, #tpu.memory_space<hbm>> -> memref<79x128xi32, #tpu.memory_space<hbm>>
      tpu.wait_dma2 semaphore(%run_scoped3A : memref<!tpu.dma_semaphore, #tpu.memory_space<semaphore_mem>>) src(%dma_wait3A_31 : memref<79x128xi32, #tpu.memory_space<hbm>>) dst(%arg8 : memref<79x128xi32, #tpu.memory_space<vmem>>)
      tpu.yield
    }) : () -> ()
    "tpu.region"() ({
      %run_scoped3A = tpu.sem_alloc : memref<!tpu.dma_semaphore, #tpu.memory_space<semaphore_mem>>
      %dma_start3A = arith.constant 0 : i32
      %dma_start3A_18 = arith.constant 0 : i32
      %dma_start3A_19 = tpu.memref_slice %arg4[%add3A, %dma_start3A, %dma_start3A_18] : memref<32x79x128xi32, #tpu.memory_space<hbm>> -> memref<1x79x128xi32, #tpu.memory_space<hbm>>
      %dma_start3A_20 = tpu.memref_squeeze %dma_start3A_19 : memref<1x79x128xi32, #tpu.memory_space<hbm>> -> memref<79x128xi32, #tpu.memory_space<hbm>>
      %dma_start3A_21 = arith.constant 0 : i32
      %dma_start3A_22 = arith.constant 0 : i32
      %dma_start3A_23 = tpu.memref_slice %arg4[%add3A, %dma_start3A_21, %dma_start3A_22] : memref<32x79x128xi32, #tpu.memory_space<hbm>> -> memref<1x79x128xi32, #tpu.memory_space<hbm>>
      %dma_start3A_24 = tpu.memref_squeeze %dma_start3A_23 : memref<1x79x128xi32, #tpu.memory_space<hbm>> -> memref<79x128xi32, #tpu.memory_space<hbm>>
      tpu.enqueue_dma source(%dma_start3A_24 : memref<79x128xi32, #tpu.memory_space<hbm>>) target(%arg9 : memref<79x128xi32, #tpu.memory_space<vmem>>) target_semaphore(%run_scoped3A : memref<!tpu.dma_semaphore, #tpu.memory_space<semaphore_mem>>)
      %dma_wait3A = arith.constant 0 : i32
      %dma_wait3A_25 = arith.constant 0 : i32
      %dma_wait3A_26 = tpu.memref_slice %arg4[%add3A, %dma_wait3A, %dma_wait3A_25] : memref<32x79x128xi32, #tpu.memory_space<hbm>> -> memref<1x79x128xi32, #tpu.memory_space<hbm>>
      %dma_wait3A_27 = tpu.memref_squeeze %dma_wait3A_26 : memref<1x79x128xi32, #tpu.memory_space<hbm>> -> memref<79x128xi32, #tpu.memory_space<hbm>>
      %dma_wait3A_28 = arith.constant 0 : i32
      %dma_wait3A_29 = arith.constant 0 : i32
      %dma_wait3A_30 = tpu.memref_slice %arg4[%add3A, %dma_wait3A_28, %dma_wait3A_29] : memref<32x79x128xi32, #tpu.memory_space<hbm>> -> memref<1x79x128xi32, #tpu.memory_space<hbm>>
      %dma_wait3A_31 = tpu.memref_squeeze %dma_wait3A_30 : memref<1x79x128xi32, #tpu.memory_space<hbm>> -> memref<79x128xi32, #tpu.memory_space<hbm>>
      tpu.wait_dma2 semaphore(%run_scoped3A : memref<!tpu.dma_semaphore, #tpu.memory_space<semaphore_mem>>) src(%dma_wait3A_31 : memref<79x128xi32, #tpu.memory_space<hbm>>) dst(%arg9 : memref<79x128xi32, #tpu.memory_space<vmem>>)
      tpu.yield
    }) : () -> ()
    %barrier3A = arith.constant 0 : index
    tpu.barrier barrier_id(%barrier3A)
    %scan3A = arith.constant 0 : i32
    %scan3A_3 = arith.constant 0 : i32
    %scan3A_4 = arith.constant 79 : i32
    %scan3A_5 = arith.addi %scan3A_3, %scan3A_4 : i32
    %scan3A_6 = arith.constant 1 : i32
    scf.for %scan3A_18 = %scan3A_3 to %scan3A_5 step %scan3A_6  : i32 {
      %dma_start3A = arith.constant 0 : i32
      %dma_start3A_19 = tpu.memref_slice %arg8[%scan3A_18, %dma_start3A] : memref<79x128xi32, #tpu.memory_space<vmem>> -> memref<1x128xi32, #tpu.memory_space<vmem>>
      %dma_start3A_20 = tpu.memref_squeeze %dma_start3A_19 : memref<1x128xi32, #tpu.memory_space<vmem>> -> memref<128xi32, #tpu.memory_space<vmem>>
      %dma_start3A_21 = arith.constant 0 : i32
      %dma_start3A_22 = arith.constant 0 : i32
      %dma_start3A_23 = tpu.memref_slice %arg2[%dma_start3A_21, %dma_start3A_22] : memref<10000x128xf32, #tpu.memory_space<hbm>> -> memref<10000x128xf32, #tpu.memory_space<hbm>>
      tpu.enqueue_indirect_dma source(%dma_start3A_23 : memref<10000x128xf32, #tpu.memory_space<hbm>>) target(%arg10 : memref<128x128xf32, #tpu.memory_space<vmem>>) offsets(%dma_start3A_20 : memref<128xi32, #tpu.memory_space<vmem>>) semaphore(%arg12 : memref<!tpu.dma_semaphore, #tpu.memory_space<semaphore_mem>>)
      %dma_wait3A = arith.constant 0 : i32
      %dma_wait3A_24 = tpu.memref_slice %arg8[%scan3A_18, %dma_wait3A] : memref<79x128xi32, #tpu.memory_space<vmem>> -> memref<1x128xi32, #tpu.memory_space<vmem>>
      %dma_wait3A_25 = tpu.memref_squeeze %dma_wait3A_24 : memref<1x128xi32, #tpu.memory_space<vmem>> -> memref<128xi32, #tpu.memory_space<vmem>>
      %dma_wait3A_26 = arith.constant 0 : i32
      %dma_wait3A_27 = arith.constant 0 : i32
      %dma_wait3A_28 = tpu.memref_slice %arg2[%dma_wait3A_26, %dma_wait3A_27] : memref<10000x128xf32, #tpu.memory_space<hbm>> -> memref<10000x128xf32, #tpu.memory_space<hbm>>
      tpu.wait_indirect_dma semaphore(%arg12 : memref<!tpu.dma_semaphore, #tpu.memory_space<semaphore_mem>>) src(%dma_wait3A_28 : memref<10000x128xf32, #tpu.memory_space<hbm>>) dst(%arg10 : memref<128x128xf32, #tpu.memory_space<vmem>>)
      "tpu.region"() ({
        %run_scoped3A = tpu.sem_alloc : memref<!tpu.dma_semaphore, #tpu.memory_space<semaphore_mem>>
        %dma_start3A_29 = arith.constant 0 : i32
        %dma_start3A_30 = tpu.memref_slice %arg9[%scan3A_18, %dma_start3A_29] : memref<79x128xi32, #tpu.memory_space<vmem>> -> memref<1x128xi32, #tpu.memory_space<vmem>>
        %dma_start3A_31 = tpu.memref_squeeze %dma_start3A_30 : memref<1x128xi32, #tpu.memory_space<vmem>> -> memref<128xi32, #tpu.memory_space<vmem>>
        %dma_start3A_32 = arith.constant 0 : i32
        %dma_start3A_33 = arith.constant 0 : i32
        %dma_start3A_34 = tpu.memref_slice %arg11[%dma_start3A_32, %dma_start3A_33] : memref<10112x128xf32, #tpu.memory_space<vmem_shared>> -> memref<10112x128xf32, #tpu.memory_space<vmem_shared>>
        tpu.enqueue_indirect_dma source(%arg10 : memref<128x128xf32, #tpu.memory_space<vmem>>) target(%dma_start3A_34 : memref<10112x128xf32, #tpu.memory_space<vmem_shared>>) offsets(%dma_start3A_31 : memref<128xi32, #tpu.memory_space<vmem>>) semaphore(%run_scoped3A : memref<!tpu.dma_semaphore, #tpu.memory_space<semaphore_mem>>) {add = true}
        %dma_wait3A_35 = arith.constant 0 : i32
        %dma_wait3A_36 = tpu.memref_slice %arg9[%scan3A_18, %dma_wait3A_35] : memref<79x128xi32, #tpu.memory_space<vmem>> -> memref<1x128xi32, #tpu.memory_space<vmem>>
        %dma_wait3A_37 = tpu.memref_squeeze %dma_wait3A_36 : memref<1x128xi32, #tpu.memory_space<vmem>> -> memref<128xi32, #tpu.memory_space<vmem>>
        %dma_wait3A_38 = arith.constant 0 : i32
        %dma_wait3A_39 = arith.constant 0 : i32
        %dma_wait3A_40 = tpu.memref_slice %arg11[%dma_wait3A_38, %dma_wait3A_39] : memref<10112x128xf32, #tpu.memory_space<vmem_shared>> -> memref<10112x128xf32, #tpu.memory_space<vmem_shared>>
        tpu.wait_indirect_dma semaphore(%run_scoped3A : memref<!tpu.dma_semaphore, #tpu.memory_space<semaphore_mem>>) src(%arg10 : memref<128x128xf32, #tpu.memory_space<vmem>>) dst(%dma_wait3A_40 : memref<10112x128xf32, #tpu.memory_space<vmem_shared>>)
        tpu.yield
      }) : () -> ()
    }
    %scan3A_7 = arith.constant 79 : i32
    %barrier3A_8 = arith.constant 0 : index
    tpu.barrier barrier_id(%barrier3A_8)
    %mul3A_9 = arith.constant 632 : i32
    %mul3A_10 = arith.muli %arg1, %mul3A_9 : i32
    %eq3A = arith.constant 0 : i32
    %eq3A_11 = arith.cmpi eq, %arg0, %eq3A : i32
    %convert_element_type3A = arith.extui %eq3A_11 : i1 to i32
    %cond3A = arith.constant 0 : i32
    %cond3A_12 = arith.cmpi ne, %convert_element_type3A, %cond3A : i32
    scf.if %cond3A_12 {
      "tpu.region"() ({
        %run_scoped3A = tpu.sem_alloc : memref<!tpu.dma_semaphore, #tpu.memory_space<semaphore_mem>>
        %dma_start3A = arith.constant 0 : i32
        %dma_start3A_18 = tpu.memref_slice %arg6[%mul3A_10, %dma_start3A] : memref<10112x128xf32, #tpu.memory_space<hbm>> -> memref<632x128xf32, #tpu.memory_space<hbm>>
        %dma_start3A_19 = arith.constant 0 : i32
        %dma_start3A_20 = tpu.memref_slice %arg11[%mul3A_10, %dma_start3A_19] : memref<10112x128xf32, #tpu.memory_space<vmem_shared>> -> memref<632x128xf32, #tpu.memory_space<vmem_shared>>
        tpu.enqueue_dma source(%dma_start3A_20 : memref<632x128xf32, #tpu.memory_space<vmem_shared>>) target(%dma_start3A_18 : memref<632x128xf32, #tpu.memory_space<hbm>>) target_semaphore(%run_scoped3A : memref<!tpu.dma_semaphore, #tpu.memory_space<semaphore_mem>>)
        %dma_wait3A = arith.constant 0 : i32
        %dma_wait3A_21 = tpu.memref_slice %arg6[%mul3A_10, %dma_wait3A] : memref<10112x128xf32, #tpu.memory_space<hbm>> -> memref<632x128xf32, #tpu.memory_space<hbm>>
        %dma_wait3A_22 = arith.constant 0 : i32
        %dma_wait3A_23 = tpu.memref_slice %arg11[%mul3A_10, %dma_wait3A_22] : memref<10112x128xf32, #tpu.memory_space<vmem_shared>> -> memref<632x128xf32, #tpu.memory_space<vmem_shared>>
        tpu.wait_dma2 semaphore(%run_scoped3A : memref<!tpu.dma_semaphore, #tpu.memory_space<semaphore_mem>>) src(%dma_wait3A_23 : memref<632x128xf32, #tpu.memory_space<vmem_shared>>) dst(%dma_wait3A_21 : memref<632x128xf32, #tpu.memory_space<hbm>>)
        tpu.yield
      }) : () -> ()
    } else {
    }
    %eq3A_13 = arith.constant 1 : i32
    %eq3A_14 = arith.cmpi eq, %arg0, %eq3A_13 : i32
    %convert_element_type3A_15 = arith.extui %eq3A_14 : i1 to i32
    %cond3A_16 = arith.constant 0 : i32
    %cond3A_17 = arith.cmpi ne, %convert_element_type3A_15, %cond3A_16 : i32
    scf.if %cond3A_17 {
      "tpu.region"() ({
        %run_scoped3A = tpu.sem_alloc : memref<!tpu.dma_semaphore, #tpu.memory_space<semaphore_mem>>
        %dma_start3A = arith.constant 0 : i32
        %dma_start3A_18 = tpu.memref_slice %arg7[%mul3A_10, %dma_start3A] : memref<10112x128xf32, #tpu.memory_space<hbm>> -> memref<632x128xf32, #tpu.memory_space<hbm>>
        %dma_start3A_19 = arith.constant 0 : i32
        %dma_start3A_20 = tpu.memref_slice %arg11[%mul3A_10, %dma_start3A_19] : memref<10112x128xf32, #tpu.memory_space<vmem_shared>> -> memref<632x128xf32, #tpu.memory_space<vmem_shared>>
        tpu.enqueue_dma source(%dma_start3A_20 : memref<632x128xf32, #tpu.memory_space<vmem_shared>>) target(%dma_start3A_18 : memref<632x128xf32, #tpu.memory_space<hbm>>) target_semaphore(%run_scoped3A : memref<!tpu.dma_semaphore, #tpu.memory_space<semaphore_mem>>)
        %dma_wait3A = arith.constant 0 : i32
        %dma_wait3A_21 = tpu.memref_slice %arg7[%mul3A_10, %dma_wait3A] : memref<10112x128xf32, #tpu.memory_space<hbm>> -> memref<632x128xf32, #tpu.memory_space<hbm>>
        %dma_wait3A_22 = arith.constant 0 : i32
        %dma_wait3A_23 = tpu.memref_slice %arg11[%mul3A_10, %dma_wait3A_22] : memref<10112x128xf32, #tpu.memory_space<vmem_shared>> -> memref<632x128xf32, #tpu.memory_space<vmem_shared>>
        tpu.wait_dma2 semaphore(%run_scoped3A : memref<!tpu.dma_semaphore, #tpu.memory_space<semaphore_mem>>) src(%dma_wait3A_23 : memref<632x128xf32, #tpu.memory_space<vmem_shared>>) dst(%dma_wait3A_21 : memref<632x128xf32, #tpu.memory_space<hbm>>)
        tpu.yield
      }) : () -> ()
    } else {
    }
    return
  }
}

#map = affine_map<(d0, d1) -> (0, 0)>
#map1 = affine_map<(d0, d1) -> (0, 0, 0)>
module attributes {stable_mosaic.version = 14 : i64} {
  func.func @_sc_agg_body(%arg0: i32, %arg1: i32, %arg2: memref<10000x128xf32, #tpu.memory_space<hbm>>, %arg3: memref<32x79x128xi32, #tpu.memory_space<hbm>>, %arg4: memref<32x79x128xi32, #tpu.memory_space<hbm>>, %arg5: memref<632x128xf32, #tpu.memory_space<hbm>>, %arg6: memref<10112x128xf32, #tpu.memory_space<hbm>>, %arg7: memref<10112x128xf32, #tpu.memory_space<hbm>>, %arg8: memref<79x128xi32, #tpu.memory_space<vmem>>, %arg9: memref<79x128xi32, #tpu.memory_space<vmem>>, %arg10: memref<128x128xf32, #tpu.memory_space<vmem>>, %arg11: memref<10112x128xf32, #tpu.memory_space<vmem_shared>>, %arg12: memref<!tpu.dma_semaphore, #tpu.memory_space<semaphore_mem>>) attributes {dimension_semantics = [#tpu.dimension_semantics<core_parallel>, #tpu.dimension_semantics<subcore_parallel>], iteration_bounds = array<i64: 2, 16>, scalar_prefetch = 0 : i64, scratch_operands = 5 : i64, tpu.core_type = #tpu.core_type<sc_vector_subcore>, window_params = [{transform_indices = #map}, {transform_indices = #map1}, {transform_indices = #map1}, {transform_indices = #map}, {transform_indices = #map}, {transform_indices = #map}]} {
    %mul3A = arith.constant 2 : i32
    %mul3A_0 = arith.muli %arg1, %mul3A : i32
    %add3A = arith.addi %mul3A_0, %arg0 : i32
    %mul3A_1 = arith.constant 632 : i32
    %mul3A_2 = arith.muli %arg1, %mul3A_1 : i32
    "tpu.region"() ({
      %run_scoped3A = tpu.sem_alloc : memref<!tpu.dma_semaphore, #tpu.memory_space<semaphore_mem>>
      %dma_start3A = arith.constant 0 : i32
      %dma_start3A_18 = tpu.memref_slice %arg11[%mul3A_2, %dma_start3A] : memref<10112x128xf32, #tpu.memory_space<vmem_shared>> -> memref<632x128xf32, #tpu.memory_space<vmem_shared>>
      tpu.enqueue_dma source(%arg5 : memref<632x128xf32, #tpu.memory_space<hbm>>) target(%dma_start3A_18 : memref<632x128xf32, #tpu.memory_space<vmem_shared>>) target_semaphore(%run_scoped3A : memref<!tpu.dma_semaphore, #tpu.memory_space<semaphore_mem>>)
      %dma_wait3A = arith.constant 0 : i32
      %dma_wait3A_19 = tpu.memref_slice %arg11[%mul3A_2, %dma_wait3A] : memref<10112x128xf32, #tpu.memory_space<vmem_shared>> -> memref<632x128xf32, #tpu.memory_space<vmem_shared>>
      tpu.wait_dma2 semaphore(%run_scoped3A : memref<!tpu.dma_semaphore, #tpu.memory_space<semaphore_mem>>) src(%arg5 : memref<632x128xf32, #tpu.memory_space<hbm>>) dst(%dma_wait3A_19 : memref<632x128xf32, #tpu.memory_space<vmem_shared>>)
      tpu.yield
    }) : () -> ()
    "tpu.region"() ({
      %run_scoped3A = tpu.sem_alloc : memref<!tpu.dma_semaphore, #tpu.memory_space<semaphore_mem>>
      %dma_start3A = arith.constant 0 : i32
      %dma_start3A_18 = arith.constant 0 : i32
      %dma_start3A_19 = tpu.memref_slice %arg3[%add3A, %dma_start3A, %dma_start3A_18] : memref<32x79x128xi32, #tpu.memory_space<hbm>> -> memref<1x79x128xi32, #tpu.memory_space<hbm>>
      %dma_start3A_20 = tpu.memref_squeeze %dma_start3A_19 : memref<1x79x128xi32, #tpu.memory_space<hbm>> -> memref<79x128xi32, #tpu.memory_space<hbm>>
      %dma_start3A_21 = arith.constant 0 : i32
      %dma_start3A_22 = arith.constant 0 : i32
      %dma_start3A_23 = tpu.memref_slice %arg3[%add3A, %dma_start3A_21, %dma_start3A_22] : memref<32x79x128xi32, #tpu.memory_space<hbm>> -> memref<1x79x128xi32, #tpu.memory_space<hbm>>
      %dma_start3A_24 = tpu.memref_squeeze %dma_start3A_23 : memref<1x79x128xi32, #tpu.memory_space<hbm>> -> memref<79x128xi32, #tpu.memory_space<hbm>>
      tpu.enqueue_dma source(%dma_start3A_24 : memref<79x128xi32, #tpu.memory_space<hbm>>) target(%arg8 : memref<79x128xi32, #tpu.memory_space<vmem>>) target_semaphore(%run_scoped3A : memref<!tpu.dma_semaphore, #tpu.memory_space<semaphore_mem>>)
      %dma_wait3A = arith.constant 0 : i32
      %dma_wait3A_25 = arith.constant 0 : i32
      %dma_wait3A_26 = tpu.memref_slice %arg3[%add3A, %dma_wait3A, %dma_wait3A_25] : memref<32x79x128xi32, #tpu.memory_space<hbm>> -> memref<1x79x128xi32, #tpu.memory_space<hbm>>
      %dma_wait3A_27 = tpu.memref_squeeze %dma_wait3A_26 : memref<1x79x128xi32, #tpu.memory_space<hbm>> -> memref<79x128xi32, #tpu.memory_space<hbm>>
      %dma_wait3A_28 = arith.constant 0 : i32
      %dma_wait3A_29 = arith.constant 0 : i32
      %dma_wait3A_30 = tpu.memref_slice %arg3[%add3A, %dma_wait3A_28, %dma_wait3A_29] : memref<32x79x128xi32, #tpu.memory_space<hbm>> -> memref<1x79x128xi32, #tpu.memory_space<hbm>>
      %dma_wait3A_31 = tpu.memref_squeeze %dma_wait3A_30 : memref<1x79x128xi32, #tpu.memory_space<hbm>> -> memref<79x128xi32, #tpu.memory_space<hbm>>
      tpu.wait_dma2 semaphore(%run_scoped3A : memref<!tpu.dma_semaphore, #tpu.memory_space<semaphore_mem>>) src(%dma_wait3A_31 : memref<79x128xi32, #tpu.memory_space<hbm>>) dst(%arg8 : memref<79x128xi32, #tpu.memory_space<vmem>>)
      tpu.yield
    }) : () -> ()
    "tpu.region"() ({
      %run_scoped3A = tpu.sem_alloc : memref<!tpu.dma_semaphore, #tpu.memory_space<semaphore_mem>>
      %dma_start3A = arith.constant 0 : i32
      %dma_start3A_18 = arith.constant 0 : i32
      %dma_start3A_19 = tpu.memref_slice %arg4[%add3A, %dma_start3A, %dma_start3A_18] : memref<32x79x128xi32, #tpu.memory_space<hbm>> -> memref<1x79x128xi32, #tpu.memory_space<hbm>>
      %dma_start3A_20 = tpu.memref_squeeze %dma_start3A_19 : memref<1x79x128xi32, #tpu.memory_space<hbm>> -> memref<79x128xi32, #tpu.memory_space<hbm>>
      %dma_start3A_21 = arith.constant 0 : i32
      %dma_start3A_22 = arith.constant 0 : i32
      %dma_start3A_23 = tpu.memref_slice %arg4[%add3A, %dma_start3A_21, %dma_start3A_22] : memref<32x79x128xi32, #tpu.memory_space<hbm>> -> memref<1x79x128xi32, #tpu.memory_space<hbm>>
      %dma_start3A_24 = tpu.memref_squeeze %dma_start3A_23 : memref<1x79x128xi32, #tpu.memory_space<hbm>> -> memref<79x128xi32, #tpu.memory_space<hbm>>
      tpu.enqueue_dma source(%dma_start3A_24 : memref<79x128xi32, #tpu.memory_space<hbm>>) target(%arg9 : memref<79x128xi32, #tpu.memory_space<vmem>>) target_semaphore(%run_scoped3A : memref<!tpu.dma_semaphore, #tpu.memory_space<semaphore_mem>>)
      %dma_wait3A = arith.constant 0 : i32
      %dma_wait3A_25 = arith.constant 0 : i32
      %dma_wait3A_26 = tpu.memref_slice %arg4[%add3A, %dma_wait3A, %dma_wait3A_25] : memref<32x79x128xi32, #tpu.memory_space<hbm>> -> memref<1x79x128xi32, #tpu.memory_space<hbm>>
      %dma_wait3A_27 = tpu.memref_squeeze %dma_wait3A_26 : memref<1x79x128xi32, #tpu.memory_space<hbm>> -> memref<79x128xi32, #tpu.memory_space<hbm>>
      %dma_wait3A_28 = arith.constant 0 : i32
      %dma_wait3A_29 = arith.constant 0 : i32
      %dma_wait3A_30 = tpu.memref_slice %arg4[%add3A, %dma_wait3A_28, %dma_wait3A_29] : memref<32x79x128xi32, #tpu.memory_space<hbm>> -> memref<1x79x128xi32, #tpu.memory_space<hbm>>
      %dma_wait3A_31 = tpu.memref_squeeze %dma_wait3A_30 : memref<1x79x128xi32, #tpu.memory_space<hbm>> -> memref<79x128xi32, #tpu.memory_space<hbm>>
      tpu.wait_dma2 semaphore(%run_scoped3A : memref<!tpu.dma_semaphore, #tpu.memory_space<semaphore_mem>>) src(%dma_wait3A_31 : memref<79x128xi32, #tpu.memory_space<hbm>>) dst(%arg9 : memref<79x128xi32, #tpu.memory_space<vmem>>)
      tpu.yield
    }) : () -> ()
    %barrier3A = arith.constant 0 : index
    tpu.barrier barrier_id(%barrier3A)
    %scan3A = arith.constant 0 : i32
    %scan3A_3 = arith.constant 0 : i32
    %scan3A_4 = arith.constant 79 : i32
    %scan3A_5 = arith.addi %scan3A_3, %scan3A_4 : i32
    %scan3A_6 = arith.constant 1 : i32
    scf.for %scan3A_18 = %scan3A_3 to %scan3A_5 step %scan3A_6  : i32 {
      %dma_start3A = arith.constant 0 : i32
      %dma_start3A_19 = tpu.memref_slice %arg8[%scan3A_18, %dma_start3A] : memref<79x128xi32, #tpu.memory_space<vmem>> -> memref<1x128xi32, #tpu.memory_space<vmem>>
      %dma_start3A_20 = tpu.memref_squeeze %dma_start3A_19 : memref<1x128xi32, #tpu.memory_space<vmem>> -> memref<128xi32, #tpu.memory_space<vmem>>
      %dma_start3A_21 = arith.constant 0 : i32
      %dma_start3A_22 = arith.constant 0 : i32
      %dma_start3A_23 = tpu.memref_slice %arg2[%dma_start3A_21, %dma_start3A_22] : memref<10000x128xf32, #tpu.memory_space<hbm>> -> memref<10000x128xf32, #tpu.memory_space<hbm>>
      tpu.enqueue_indirect_dma source(%dma_start3A_23 : memref<10000x128xf32, #tpu.memory_space<hbm>>) target(%arg10 : memref<128x128xf32, #tpu.memory_space<vmem>>) offsets(%dma_start3A_20 : memref<128xi32, #tpu.memory_space<vmem>>) semaphore(%arg12 : memref<!tpu.dma_semaphore, #tpu.memory_space<semaphore_mem>>)
      %dma_wait3A = arith.constant 0 : i32
      %dma_wait3A_24 = tpu.memref_slice %arg8[%scan3A_18, %dma_wait3A] : memref<79x128xi32, #tpu.memory_space<vmem>> -> memref<1x128xi32, #tpu.memory_space<vmem>>
      %dma_wait3A_25 = tpu.memref_squeeze %dma_wait3A_24 : memref<1x128xi32, #tpu.memory_space<vmem>> -> memref<128xi32, #tpu.memory_space<vmem>>
      %dma_wait3A_26 = arith.constant 0 : i32
      %dma_wait3A_27 = arith.constant 0 : i32
      %dma_wait3A_28 = tpu.memref_slice %arg2[%dma_wait3A_26, %dma_wait3A_27] : memref<10000x128xf32, #tpu.memory_space<hbm>> -> memref<10000x128xf32, #tpu.memory_space<hbm>>
      tpu.wait_indirect_dma semaphore(%arg12 : memref<!tpu.dma_semaphore, #tpu.memory_space<semaphore_mem>>) src(%dma_wait3A_28 : memref<10000x128xf32, #tpu.memory_space<hbm>>) dst(%arg10 : memref<128x128xf32, #tpu.memory_space<vmem>>)
      "tpu.region"() ({
        %run_scoped3A = tpu.sem_alloc : memref<!tpu.dma_semaphore, #tpu.memory_space<semaphore_mem>>
        %dma_start3A_29 = arith.constant 0 : i32
        %dma_start3A_30 = tpu.memref_slice %arg9[%scan3A_18, %dma_start3A_29] : memref<79x128xi32, #tpu.memory_space<vmem>> -> memref<1x128xi32, #tpu.memory_space<vmem>>
        %dma_start3A_31 = tpu.memref_squeeze %dma_start3A_30 : memref<1x128xi32, #tpu.memory_space<vmem>> -> memref<128xi32, #tpu.memory_space<vmem>>
        %dma_start3A_32 = arith.constant 0 : i32
        %dma_start3A_33 = arith.constant 0 : i32
        %dma_start3A_34 = tpu.memref_slice %arg11[%dma_start3A_32, %dma_start3A_33] : memref<10112x128xf32, #tpu.memory_space<vmem_shared>> -> memref<10112x128xf32, #tpu.memory_space<vmem_shared>>
        tpu.enqueue_indirect_dma source(%arg10 : memref<128x128xf32, #tpu.memory_space<vmem>>) target(%dma_start3A_34 : memref<10112x128xf32, #tpu.memory_space<vmem_shared>>) offsets(%dma_start3A_31 : memref<128xi32, #tpu.memory_space<vmem>>) semaphore(%run_scoped3A : memref<!tpu.dma_semaphore, #tpu.memory_space<semaphore_mem>>) {add = true}
        %dma_wait3A_35 = arith.constant 0 : i32
        %dma_wait3A_36 = tpu.memref_slice %arg9[%scan3A_18, %dma_wait3A_35] : memref<79x128xi32, #tpu.memory_space<vmem>> -> memref<1x128xi32, #tpu.memory_space<vmem>>
        %dma_wait3A_37 = tpu.memref_squeeze %dma_wait3A_36 : memref<1x128xi32, #tpu.memory_space<vmem>> -> memref<128xi32, #tpu.memory_space<vmem>>
        %dma_wait3A_38 = arith.constant 0 : i32
        %dma_wait3A_39 = arith.constant 0 : i32
        %dma_wait3A_40 = tpu.memref_slice %arg11[%dma_wait3A_38, %dma_wait3A_39] : memref<10112x128xf32, #tpu.memory_space<vmem_shared>> -> memref<10112x128xf32, #tpu.memory_space<vmem_shared>>
        tpu.wait_indirect_dma semaphore(%run_scoped3A : memref<!tpu.dma_semaphore, #tpu.memory_space<semaphore_mem>>) src(%arg10 : memref<128x128xf32, #tpu.memory_space<vmem>>) dst(%dma_wait3A_40 : memref<10112x128xf32, #tpu.memory_space<vmem_shared>>)
        tpu.yield
      }) : () -> ()
    }
    %scan3A_7 = arith.constant 79 : i32
    %barrier3A_8 = arith.constant 0 : index
    tpu.barrier barrier_id(%barrier3A_8)
    %mul3A_9 = arith.constant 632 : i32
    %mul3A_10 = arith.muli %arg1, %mul3A_9 : i32
    %eq3A = arith.constant 0 : i32
    %eq3A_11 = arith.cmpi eq, %arg0, %eq3A : i32
    %convert_element_type3A = arith.extui %eq3A_11 : i1 to i32
    %cond3A = arith.constant 0 : i32
    %cond3A_12 = arith.cmpi ne, %convert_element_type3A, %cond3A : i32
    scf.if %cond3A_12 {
      "tpu.region"() ({
        %run_scoped3A = tpu.sem_alloc : memref<!tpu.dma_semaphore, #tpu.memory_space<semaphore_mem>>
        %dma_start3A = arith.constant 0 : i32
        %dma_start3A_18 = tpu.memref_slice %arg6[%mul3A_10, %dma_start3A] : memref<10112x128xf32, #tpu.memory_space<hbm>> -> memref<632x128xf32, #tpu.memory_space<hbm>>
        %dma_start3A_19 = arith.constant 0 : i32
        %dma_start3A_20 = tpu.memref_slice %arg11[%mul3A_10, %dma_start3A_19] : memref<10112x128xf32, #tpu.memory_space<vmem_shared>> -> memref<632x128xf32, #tpu.memory_space<vmem_shared>>
        tpu.enqueue_dma source(%dma_start3A_20 : memref<632x128xf32, #tpu.memory_space<vmem_shared>>) target(%dma_start3A_18 : memref<632x128xf32, #tpu.memory_space<hbm>>) target_semaphore(%run_scoped3A : memref<!tpu.dma_semaphore, #tpu.memory_space<semaphore_mem>>)
        %dma_wait3A = arith.constant 0 : i32
        %dma_wait3A_21 = tpu.memref_slice %arg6[%mul3A_10, %dma_wait3A] : memref<10112x128xf32, #tpu.memory_space<hbm>> -> memref<632x128xf32, #tpu.memory_space<hbm>>
        %dma_wait3A_22 = arith.constant 0 : i32
        %dma_wait3A_23 = tpu.memref_slice %arg11[%mul3A_10, %dma_wait3A_22] : memref<10112x128xf32, #tpu.memory_space<vmem_shared>> -> memref<632x128xf32, #tpu.memory_space<vmem_shared>>
        tpu.wait_dma2 semaphore(%run_scoped3A : memref<!tpu.dma_semaphore, #tpu.memory_space<semaphore_mem>>) src(%dma_wait3A_23 : memref<632x128xf32, #tpu.memory_space<vmem_shared>>) dst(%dma_wait3A_21 : memref<632x128xf32, #tpu.memory_space<hbm>>)
        tpu.yield
      }) : () -> ()
    } else {
    }
    %eq3A_13 = arith.constant 1 : i32
    %eq3A_14 = arith.cmpi eq, %arg0, %eq3A_13 : i32
    %convert_element_type3A_15 = arith.extui %eq3A_14 : i1 to i32
    %cond3A_16 = arith.constant 0 : i32
    %cond3A_17 = arith.cmpi ne, %convert_element_type3A_15, %cond3A_16 : i32
    scf.if %cond3A_17 {
      "tpu.region"() ({
        %run_scoped3A = tpu.sem_alloc : memref<!tpu.dma_semaphore, #tpu.memory_space<semaphore_mem>>
        %dma_start3A = arith.constant 0 : i32
        %dma_start3A_18 = tpu.memref_slice %arg7[%mul3A_10, %dma_start3A] : memref<10112x128xf32, #tpu.memory_space<hbm>> -> memref<632x128xf32, #tpu.memory_space<hbm>>
        %dma_start3A_19 = arith.constant 0 : i32
        %dma_start3A_20 = tpu.memref_slice %arg11[%mul3A_10, %dma_start3A_19] : memref<10112x128xf32, #tpu.memory_space<vmem_shared>> -> memref<632x128xf32, #tpu.memory_space<vmem_shared>>
        tpu.enqueue_dma source(%dma_start3A_20 : memref<632x128xf32, #tpu.memory_space<vmem_shared>>) target(%dma_start3A_18 : memref<632x128xf32, #tpu.memory_space<hbm>>) target_semaphore(%run_scoped3A : memref<!tpu.dma_semaphore, #tpu.memory_space<semaphore_mem>>)
        %dma_wait3A = arith.constant 0 : i32
        %dma_wait3A_21 = tpu.memref_slice %arg7[%mul3A_10, %dma_wait3A] : memref<10112x128xf32, #tpu.memory_space<hbm>> -> memref<632x128xf32, #tpu.memory_space<hbm>>
        %dma_wait3A_22 = arith.constant 0 : i32
        %dma_wait3A_23 = tpu.memref_slice %arg11[%mul3A_10, %dma_wait3A_22] : memref<10112x128xf32, #tpu.memory_space<vmem_shared>> -> memref<632x128xf32, #tpu.memory_space<vmem_shared>>
        tpu.wait_dma2 semaphore(%run_scoped3A : memref<!tpu.dma_semaphore, #tpu.memory_space<semaphore_mem>>) src(%dma_wait3A_23 : memref<632x128xf32, #tpu.memory_space<vmem_shared>>) dst(%dma_wait3A_21 : memref<632x128xf32, #tpu.memory_space<hbm>>)
        tpu.yield
      }) : () -> ()
    } else {
    }
    return
  }
}

#map = affine_map<(d0, d1) -> (0, 0)>
#map1 = affine_map<(d0, d1) -> (0, 0, 0)>
module attributes {stable_mosaic.version = 14 : i64} {
  func.func @_sc_agg_body(%arg0: i32, %arg1: i32, %arg2: memref<10000x128xf32, #tpu.memory_space<hbm>>, %arg3: memref<32x79x128xi32, #tpu.memory_space<hbm>>, %arg4: memref<32x79x128xi32, #tpu.memory_space<hbm>>, %arg5: memref<632x128xf32, #tpu.memory_space<hbm>>, %arg6: memref<10112x128xf32, #tpu.memory_space<hbm>>, %arg7: memref<10112x128xf32, #tpu.memory_space<hbm>>, %arg8: memref<79x128xi32, #tpu.memory_space<vmem>>, %arg9: memref<79x128xi32, #tpu.memory_space<vmem>>, %arg10: memref<128x128xf32, #tpu.memory_space<vmem>>, %arg11: memref<10112x128xf32, #tpu.memory_space<vmem_shared>>, %arg12: memref<!tpu.dma_semaphore, #tpu.memory_space<semaphore_mem>>) attributes {dimension_semantics = [#tpu.dimension_semantics<core_parallel>, #tpu.dimension_semantics<subcore_parallel>], iteration_bounds = array<i64: 2, 16>, scalar_prefetch = 0 : i64, scratch_operands = 5 : i64, tpu.core_type = #tpu.core_type<sc_vector_subcore>, window_params = [{transform_indices = #map}, {transform_indices = #map1}, {transform_indices = #map1}, {transform_indices = #map}, {transform_indices = #map}, {transform_indices = #map}]} {
    %mul3A = arith.constant 2 : i32
    %mul3A_0 = arith.muli %arg1, %mul3A : i32
    %add3A = arith.addi %mul3A_0, %arg0 : i32
    %mul3A_1 = arith.constant 632 : i32
    %mul3A_2 = arith.muli %arg1, %mul3A_1 : i32
    "tpu.region"() ({
      %run_scoped3A = tpu.sem_alloc : memref<!tpu.dma_semaphore, #tpu.memory_space<semaphore_mem>>
      %dma_start3A = arith.constant 0 : i32
      %dma_start3A_18 = tpu.memref_slice %arg11[%mul3A_2, %dma_start3A] : memref<10112x128xf32, #tpu.memory_space<vmem_shared>> -> memref<632x128xf32, #tpu.memory_space<vmem_shared>>
      tpu.enqueue_dma source(%arg5 : memref<632x128xf32, #tpu.memory_space<hbm>>) target(%dma_start3A_18 : memref<632x128xf32, #tpu.memory_space<vmem_shared>>) target_semaphore(%run_scoped3A : memref<!tpu.dma_semaphore, #tpu.memory_space<semaphore_mem>>)
      %dma_wait3A = arith.constant 0 : i32
      %dma_wait3A_19 = tpu.memref_slice %arg11[%mul3A_2, %dma_wait3A] : memref<10112x128xf32, #tpu.memory_space<vmem_shared>> -> memref<632x128xf32, #tpu.memory_space<vmem_shared>>
      tpu.wait_dma2 semaphore(%run_scoped3A : memref<!tpu.dma_semaphore, #tpu.memory_space<semaphore_mem>>) src(%arg5 : memref<632x128xf32, #tpu.memory_space<hbm>>) dst(%dma_wait3A_19 : memref<632x128xf32, #tpu.memory_space<vmem_shared>>)
      tpu.yield
    }) : () -> ()
    "tpu.region"() ({
      %run_scoped3A = tpu.sem_alloc : memref<!tpu.dma_semaphore, #tpu.memory_space<semaphore_mem>>
      %dma_start3A = arith.constant 0 : i32
      %dma_start3A_18 = arith.constant 0 : i32
      %dma_start3A_19 = tpu.memref_slice %arg3[%add3A, %dma_start3A, %dma_start3A_18] : memref<32x79x128xi32, #tpu.memory_space<hbm>> -> memref<1x79x128xi32, #tpu.memory_space<hbm>>
      %dma_start3A_20 = tpu.memref_squeeze %dma_start3A_19 : memref<1x79x128xi32, #tpu.memory_space<hbm>> -> memref<79x128xi32, #tpu.memory_space<hbm>>
      %dma_start3A_21 = arith.constant 0 : i32
      %dma_start3A_22 = arith.constant 0 : i32
      %dma_start3A_23 = tpu.memref_slice %arg3[%add3A, %dma_start3A_21, %dma_start3A_22] : memref<32x79x128xi32, #tpu.memory_space<hbm>> -> memref<1x79x128xi32, #tpu.memory_space<hbm>>
      %dma_start3A_24 = tpu.memref_squeeze %dma_start3A_23 : memref<1x79x128xi32, #tpu.memory_space<hbm>> -> memref<79x128xi32, #tpu.memory_space<hbm>>
      tpu.enqueue_dma source(%dma_start3A_24 : memref<79x128xi32, #tpu.memory_space<hbm>>) target(%arg8 : memref<79x128xi32, #tpu.memory_space<vmem>>) target_semaphore(%run_scoped3A : memref<!tpu.dma_semaphore, #tpu.memory_space<semaphore_mem>>)
      %dma_wait3A = arith.constant 0 : i32
      %dma_wait3A_25 = arith.constant 0 : i32
      %dma_wait3A_26 = tpu.memref_slice %arg3[%add3A, %dma_wait3A, %dma_wait3A_25] : memref<32x79x128xi32, #tpu.memory_space<hbm>> -> memref<1x79x128xi32, #tpu.memory_space<hbm>>
      %dma_wait3A_27 = tpu.memref_squeeze %dma_wait3A_26 : memref<1x79x128xi32, #tpu.memory_space<hbm>> -> memref<79x128xi32, #tpu.memory_space<hbm>>
      %dma_wait3A_28 = arith.constant 0 : i32
      %dma_wait3A_29 = arith.constant 0 : i32
      %dma_wait3A_30 = tpu.memref_slice %arg3[%add3A, %dma_wait3A_28, %dma_wait3A_29] : memref<32x79x128xi32, #tpu.memory_space<hbm>> -> memref<1x79x128xi32, #tpu.memory_space<hbm>>
      %dma_wait3A_31 = tpu.memref_squeeze %dma_wait3A_30 : memref<1x79x128xi32, #tpu.memory_space<hbm>> -> memref<79x128xi32, #tpu.memory_space<hbm>>
      tpu.wait_dma2 semaphore(%run_scoped3A : memref<!tpu.dma_semaphore, #tpu.memory_space<semaphore_mem>>) src(%dma_wait3A_31 : memref<79x128xi32, #tpu.memory_space<hbm>>) dst(%arg8 : memref<79x128xi32, #tpu.memory_space<vmem>>)
      tpu.yield
    }) : () -> ()
    "tpu.region"() ({
      %run_scoped3A = tpu.sem_alloc : memref<!tpu.dma_semaphore, #tpu.memory_space<semaphore_mem>>
      %dma_start3A = arith.constant 0 : i32
      %dma_start3A_18 = arith.constant 0 : i32
      %dma_start3A_19 = tpu.memref_slice %arg4[%add3A, %dma_start3A, %dma_start3A_18] : memref<32x79x128xi32, #tpu.memory_space<hbm>> -> memref<1x79x128xi32, #tpu.memory_space<hbm>>
      %dma_start3A_20 = tpu.memref_squeeze %dma_start3A_19 : memref<1x79x128xi32, #tpu.memory_space<hbm>> -> memref<79x128xi32, #tpu.memory_space<hbm>>
      %dma_start3A_21 = arith.constant 0 : i32
      %dma_start3A_22 = arith.constant 0 : i32
      %dma_start3A_23 = tpu.memref_slice %arg4[%add3A, %dma_start3A_21, %dma_start3A_22] : memref<32x79x128xi32, #tpu.memory_space<hbm>> -> memref<1x79x128xi32, #tpu.memory_space<hbm>>
      %dma_start3A_24 = tpu.memref_squeeze %dma_start3A_23 : memref<1x79x128xi32, #tpu.memory_space<hbm>> -> memref<79x128xi32, #tpu.memory_space<hbm>>
      tpu.enqueue_dma source(%dma_start3A_24 : memref<79x128xi32, #tpu.memory_space<hbm>>) target(%arg9 : memref<79x128xi32, #tpu.memory_space<vmem>>) target_semaphore(%run_scoped3A : memref<!tpu.dma_semaphore, #tpu.memory_space<semaphore_mem>>)
      %dma_wait3A = arith.constant 0 : i32
      %dma_wait3A_25 = arith.constant 0 : i32
      %dma_wait3A_26 = tpu.memref_slice %arg4[%add3A, %dma_wait3A, %dma_wait3A_25] : memref<32x79x128xi32, #tpu.memory_space<hbm>> -> memref<1x79x128xi32, #tpu.memory_space<hbm>>
      %dma_wait3A_27 = tpu.memref_squeeze %dma_wait3A_26 : memref<1x79x128xi32, #tpu.memory_space<hbm>> -> memref<79x128xi32, #tpu.memory_space<hbm>>
      %dma_wait3A_28 = arith.constant 0 : i32
      %dma_wait3A_29 = arith.constant 0 : i32
      %dma_wait3A_30 = tpu.memref_slice %arg4[%add3A, %dma_wait3A_28, %dma_wait3A_29] : memref<32x79x128xi32, #tpu.memory_space<hbm>> -> memref<1x79x128xi32, #tpu.memory_space<hbm>>
      %dma_wait3A_31 = tpu.memref_squeeze %dma_wait3A_30 : memref<1x79x128xi32, #tpu.memory_space<hbm>> -> memref<79x128xi32, #tpu.memory_space<hbm>>
      tpu.wait_dma2 semaphore(%run_scoped3A : memref<!tpu.dma_semaphore, #tpu.memory_space<semaphore_mem>>) src(%dma_wait3A_31 : memref<79x128xi32, #tpu.memory_space<hbm>>) dst(%arg9 : memref<79x128xi32, #tpu.memory_space<vmem>>)
      tpu.yield
    }) : () -> ()
    %barrier3A = arith.constant 0 : index
    tpu.barrier barrier_id(%barrier3A)
    %scan3A = arith.constant 0 : i32
    %scan3A_3 = arith.constant 0 : i32
    %scan3A_4 = arith.constant 79 : i32
    %scan3A_5 = arith.addi %scan3A_3, %scan3A_4 : i32
    %scan3A_6 = arith.constant 1 : i32
    scf.for %scan3A_18 = %scan3A_3 to %scan3A_5 step %scan3A_6  : i32 {
      %dma_start3A = arith.constant 0 : i32
      %dma_start3A_19 = tpu.memref_slice %arg8[%scan3A_18, %dma_start3A] : memref<79x128xi32, #tpu.memory_space<vmem>> -> memref<1x128xi32, #tpu.memory_space<vmem>>
      %dma_start3A_20 = tpu.memref_squeeze %dma_start3A_19 : memref<1x128xi32, #tpu.memory_space<vmem>> -> memref<128xi32, #tpu.memory_space<vmem>>
      %dma_start3A_21 = arith.constant 0 : i32
      %dma_start3A_22 = arith.constant 0 : i32
      %dma_start3A_23 = tpu.memref_slice %arg2[%dma_start3A_21, %dma_start3A_22] : memref<10000x128xf32, #tpu.memory_space<hbm>> -> memref<10000x128xf32, #tpu.memory_space<hbm>>
      tpu.enqueue_indirect_dma source(%dma_start3A_23 : memref<10000x128xf32, #tpu.memory_space<hbm>>) target(%arg10 : memref<128x128xf32, #tpu.memory_space<vmem>>) offsets(%dma_start3A_20 : memref<128xi32, #tpu.memory_space<vmem>>) semaphore(%arg12 : memref<!tpu.dma_semaphore, #tpu.memory_space<semaphore_mem>>)
      %dma_wait3A = arith.constant 0 : i32
      %dma_wait3A_24 = tpu.memref_slice %arg8[%scan3A_18, %dma_wait3A] : memref<79x128xi32, #tpu.memory_space<vmem>> -> memref<1x128xi32, #tpu.memory_space<vmem>>
      %dma_wait3A_25 = tpu.memref_squeeze %dma_wait3A_24 : memref<1x128xi32, #tpu.memory_space<vmem>> -> memref<128xi32, #tpu.memory_space<vmem>>
      %dma_wait3A_26 = arith.constant 0 : i32
      %dma_wait3A_27 = arith.constant 0 : i32
      %dma_wait3A_28 = tpu.memref_slice %arg2[%dma_wait3A_26, %dma_wait3A_27] : memref<10000x128xf32, #tpu.memory_space<hbm>> -> memref<10000x128xf32, #tpu.memory_space<hbm>>
      tpu.wait_indirect_dma semaphore(%arg12 : memref<!tpu.dma_semaphore, #tpu.memory_space<semaphore_mem>>) src(%dma_wait3A_28 : memref<10000x128xf32, #tpu.memory_space<hbm>>) dst(%arg10 : memref<128x128xf32, #tpu.memory_space<vmem>>)
      "tpu.region"() ({
        %run_scoped3A = tpu.sem_alloc : memref<!tpu.dma_semaphore, #tpu.memory_space<semaphore_mem>>
        %dma_start3A_29 = arith.constant 0 : i32
        %dma_start3A_30 = tpu.memref_slice %arg9[%scan3A_18, %dma_start3A_29] : memref<79x128xi32, #tpu.memory_space<vmem>> -> memref<1x128xi32, #tpu.memory_space<vmem>>
        %dma_start3A_31 = tpu.memref_squeeze %dma_start3A_30 : memref<1x128xi32, #tpu.memory_space<vmem>> -> memref<128xi32, #tpu.memory_space<vmem>>
        %dma_start3A_32 = arith.constant 0 : i32
        %dma_start3A_33 = arith.constant 0 : i32
        %dma_start3A_34 = tpu.memref_slice %arg11[%dma_start3A_32, %dma_start3A_33] : memref<10112x128xf32, #tpu.memory_space<vmem_shared>> -> memref<10112x128xf32, #tpu.memory_space<vmem_shared>>
        tpu.enqueue_indirect_dma source(%arg10 : memref<128x128xf32, #tpu.memory_space<vmem>>) target(%dma_start3A_34 : memref<10112x128xf32, #tpu.memory_space<vmem_shared>>) offsets(%dma_start3A_31 : memref<128xi32, #tpu.memory_space<vmem>>) semaphore(%run_scoped3A : memref<!tpu.dma_semaphore, #tpu.memory_space<semaphore_mem>>) {add = true}
        %dma_wait3A_35 = arith.constant 0 : i32
        %dma_wait3A_36 = tpu.memref_slice %arg9[%scan3A_18, %dma_wait3A_35] : memref<79x128xi32, #tpu.memory_space<vmem>> -> memref<1x128xi32, #tpu.memory_space<vmem>>
        %dma_wait3A_37 = tpu.memref_squeeze %dma_wait3A_36 : memref<1x128xi32, #tpu.memory_space<vmem>> -> memref<128xi32, #tpu.memory_space<vmem>>
        %dma_wait3A_38 = arith.constant 0 : i32
        %dma_wait3A_39 = arith.constant 0 : i32
        %dma_wait3A_40 = tpu.memref_slice %arg11[%dma_wait3A_38, %dma_wait3A_39] : memref<10112x128xf32, #tpu.memory_space<vmem_shared>> -> memref<10112x128xf32, #tpu.memory_space<vmem_shared>>
        tpu.wait_indirect_dma semaphore(%run_scoped3A : memref<!tpu.dma_semaphore, #tpu.memory_space<semaphore_mem>>) src(%arg10 : memref<128x128xf32, #tpu.memory_space<vmem>>) dst(%dma_wait3A_40 : memref<10112x128xf32, #tpu.memory_space<vmem_shared>>)
        tpu.yield
      }) : () -> ()
    }
    %scan3A_7 = arith.constant 79 : i32
    %barrier3A_8 = arith.constant 0 : index
    tpu.barrier barrier_id(%barrier3A_8)
    %mul3A_9 = arith.constant 632 : i32
    %mul3A_10 = arith.muli %arg1, %mul3A_9 : i32
    %eq3A = arith.constant 0 : i32
    %eq3A_11 = arith.cmpi eq, %arg0, %eq3A : i32
    %convert_element_type3A = arith.extui %eq3A_11 : i1 to i32
    %cond3A = arith.constant 0 : i32
    %cond3A_12 = arith.cmpi ne, %convert_element_type3A, %cond3A : i32
    scf.if %cond3A_12 {
      "tpu.region"() ({
        %run_scoped3A = tpu.sem_alloc : memref<!tpu.dma_semaphore, #tpu.memory_space<semaphore_mem>>
        %dma_start3A = arith.constant 0 : i32
        %dma_start3A_18 = tpu.memref_slice %arg6[%mul3A_10, %dma_start3A] : memref<10112x128xf32, #tpu.memory_space<hbm>> -> memref<632x128xf32, #tpu.memory_space<hbm>>
        %dma_start3A_19 = arith.constant 0 : i32
        %dma_start3A_20 = tpu.memref_slice %arg11[%mul3A_10, %dma_start3A_19] : memref<10112x128xf32, #tpu.memory_space<vmem_shared>> -> memref<632x128xf32, #tpu.memory_space<vmem_shared>>
        tpu.enqueue_dma source(%dma_start3A_20 : memref<632x128xf32, #tpu.memory_space<vmem_shared>>) target(%dma_start3A_18 : memref<632x128xf32, #tpu.memory_space<hbm>>) target_semaphore(%run_scoped3A : memref<!tpu.dma_semaphore, #tpu.memory_space<semaphore_mem>>)
        %dma_wait3A = arith.constant 0 : i32
        %dma_wait3A_21 = tpu.memref_slice %arg6[%mul3A_10, %dma_wait3A] : memref<10112x128xf32, #tpu.memory_space<hbm>> -> memref<632x128xf32, #tpu.memory_space<hbm>>
        %dma_wait3A_22 = arith.constant 0 : i32
        %dma_wait3A_23 = tpu.memref_slice %arg11[%mul3A_10, %dma_wait3A_22] : memref<10112x128xf32, #tpu.memory_space<vmem_shared>> -> memref<632x128xf32, #tpu.memory_space<vmem_shared>>
        tpu.wait_dma2 semaphore(%run_scoped3A : memref<!tpu.dma_semaphore, #tpu.memory_space<semaphore_mem>>) src(%dma_wait3A_23 : memref<632x128xf32, #tpu.memory_space<vmem_shared>>) dst(%dma_wait3A_21 : memref<632x128xf32, #tpu.memory_space<hbm>>)
        tpu.yield
      }) : () -> ()
    } else {
    }
    %eq3A_13 = arith.constant 1 : i32
    %eq3A_14 = arith.cmpi eq, %arg0, %eq3A_13 : i32
    %convert_element_type3A_15 = arith.extui %eq3A_14 : i1 to i32
    %cond3A_16 = arith.constant 0 : i32
    %cond3A_17 = arith.cmpi ne, %convert_element_type3A_15, %cond3A_16 : i32
    scf.if %cond3A_17 {
      "tpu.region"() ({
        %run_scoped3A = tpu.sem_alloc : memref<!tpu.dma_semaphore, #tpu.memory_space<semaphore_mem>>
        %dma_start3A = arith.constant 0 : i32
        %dma_start3A_18 = tpu.memref_slice %arg7[%mul3A_10, %dma_start3A] : memref<10112x128xf32, #tpu.memory_space<hbm>> -> memref<632x128xf32, #tpu.memory_space<hbm>>
        %dma_start3A_19 = arith.constant 0 : i32
        %dma_start3A_20 = tpu.memref_slice %arg11[%mul3A_10, %dma_start3A_19] : memref<10112x128xf32, #tpu.memory_space<vmem_shared>> -> memref<632x128xf32, #tpu.memory_space<vmem_shared>>
        tpu.enqueue_dma source(%dma_start3A_20 : memref<632x128xf32, #tpu.memory_space<vmem_shared>>) target(%dma_start3A_18 : memref<632x128xf32, #tpu.memory_space<hbm>>) target_semaphore(%run_scoped3A : memref<!tpu.dma_semaphore, #tpu.memory_space<semaphore_mem>>)
        %dma_wait3A = arith.constant 0 : i32
        %dma_wait3A_21 = tpu.memref_slice %arg7[%mul3A_10, %dma_wait3A] : memref<10112x128xf32, #tpu.memory_space<hbm>> -> memref<632x128xf32, #tpu.memory_space<hbm>>
        %dma_wait3A_22 = arith.constant 0 : i32
        %dma_wait3A_23 = tpu.memref_slice %arg11[%mul3A_10, %dma_wait3A_22] : memref<10112x128xf32, #tpu.memory_space<vmem_shared>> -> memref<632x128xf32, #tpu.memory_space<vmem_shared>>
        tpu.wait_dma2 semaphore(%run_scoped3A : memref<!tpu.dma_semaphore, #tpu.memory_space<semaphore_mem>>) src(%dma_wait3A_23 : memref<632x128xf32, #tpu.memory_space<vmem_shared>>) dst(%dma_wait3A_21 : memref<632x128xf32, #tpu.memory_space<hbm>>)
        tpu.yield
      }) : () -> ()
    } else {
    }
    return
  }
}

module attributes {stable_mosaic.version = 14 : i64} {
  func.func @_mlp_body(%arg0: i32, %arg1: memref<1000x128xf32, #tpu.memory_space<vmem>>, %arg2: memref<1000x128xf32, #tpu.memory_space<vmem>>, %arg3: memref<1000x128xf32, #tpu.memory_space<vmem>>, %arg4: memref<128x128xf32, #tpu.memory_space<vmem>>, %arg5: memref<1x128xf32, #tpu.memory_space<vmem>>, %arg6: memref<128x128xf32, #tpu.memory_space<vmem>>, %arg7: memref<1x128xf32, #tpu.memory_space<vmem>>, %arg8: memref<1000x128xf32, #tpu.memory_space<vmem>>, %arg9: memref<2x128xf32, #tpu.memory_space<vmem>>) attributes {dimension_semantics = [#tpu.dimension_semantics<arbitrary>], iteration_bounds = array<i64: 10>, scalar_prefetch = 0 : i64, scratch_operands = 0 : i64, tpu.core_type = #tpu.core_type<tc>, window_params = [{transform_indices = @transform_0, window_bounds = array<i64: 1000, 128>}, {transform_indices = @transform_1, window_bounds = array<i64: 1000, 128>}, {transform_indices = @transform_2, window_bounds = array<i64: 1000, 128>}, {pipeline_mode = #tpu.pipeline_mode<synchronous>, transform_indices = @transform_3, window_bounds = array<i64: 128, 128>}, {pipeline_mode = #tpu.pipeline_mode<synchronous>, transform_indices = @transform_4, window_bounds = array<i64: 1, 128>}, {pipeline_mode = #tpu.pipeline_mode<synchronous>, transform_indices = @transform_5, window_bounds = array<i64: 128, 128>}, {pipeline_mode = #tpu.pipeline_mode<synchronous>, transform_indices = @transform_6, window_bounds = array<i64: 1, 128>}, {transform_indices = @transform_7, window_bounds = array<i64: 1000, 128>}, {pipeline_mode = #tpu.pipeline_mode<synchronous>, transform_indices = @transform_8, window_bounds = array<i64: 2, 128>}]} {
    %get3A = arith.constant 0 : index
    %get3A_0 = arith.constant 0 : index
    %get3A_1 = vector.load %arg1[%get3A, %get3A_0] : memref<1000x128xf32, #tpu.memory_space<vmem>>, vector<1000x128xf32>
    %get3A_2 = arith.constant 0 : index
    %get3A_3 = arith.constant 0 : index
    %get3A_4 = vector.load %arg2[%get3A_2, %get3A_3] : memref<1000x128xf32, #tpu.memory_space<vmem>>, vector<1000x128xf32>
    %add3A = arith.addf %get3A_1, %get3A_4 : vector<1000x128xf32>
    %get3A_5 = arith.constant 0 : index
    %get3A_6 = arith.constant 0 : index
    %get3A_7 = vector.load %arg3[%get3A_5, %get3A_6] : memref<1000x128xf32, #tpu.memory_space<vmem>>, vector<1000x128xf32>
    %add3A_8 = arith.addf %add3A, %get3A_7 : vector<1000x128xf32>
    %get3A_9 = arith.constant 0 : index
    %get3A_10 = arith.constant 0 : index
    %get3A_11 = vector.load %arg4[%get3A_9, %get3A_10] : memref<128x128xf32, #tpu.memory_space<vmem>>, vector<128x128xf32>
    %dot_general3A = arith.constant dense<0.000000e+00> : vector<1000x128xf32>
    %dot_general3A_12 = tpu.matmul %add3A_8, %get3A_11, %dot_general3A {dimension_numbers = #tpu.dot_dimension_numbers<[1], [0], [0], [1], [0, 0, 1, 1], [], []>, transpose_lhs_hint = false} : vector<1000x128xf32>, vector<128x128xf32>, vector<1000x128xf32> -> vector<1000x128xf32>
    %get3A_13 = arith.constant 0 : index
    %get3A_14 = arith.constant 0 : index
    %get3A_15 = vector.load %arg5[%get3A_13, %get3A_14] : memref<1x128xf32, #tpu.memory_space<vmem>>, vector<1x128xf32>
    %add3A_16 = vector.broadcast %get3A_15 : vector<1x128xf32> to vector<1000x128xf32>
    %add3A_17 = arith.addf %dot_general3A_12, %add3A_16 : vector<1000x128xf32>
    %max3A = arith.constant 0.000000e+00 : f32
    %max3A_18 = vector.broadcast %max3A : f32 to vector<1000x128xf32>
    %max3A_19 = arith.maximumf %add3A_17, %max3A_18 : vector<1000x128xf32>
    %get3A_20 = arith.constant 0 : index
    %get3A_21 = arith.constant 0 : index
    %get3A_22 = vector.load %arg6[%get3A_20, %get3A_21] : memref<128x128xf32, #tpu.memory_space<vmem>>, vector<128x128xf32>
    %dot_general3A_23 = arith.constant dense<0.000000e+00> : vector<1000x128xf32>
    %dot_general3A_24 = tpu.matmul %max3A_19, %get3A_22, %dot_general3A_23 {dimension_numbers = #tpu.dot_dimension_numbers<[1], [0], [0], [1], [0, 0, 1, 1], [], []>, transpose_lhs_hint = false} : vector<1000x128xf32>, vector<128x128xf32>, vector<1000x128xf32> -> vector<1000x128xf32>
    %get3A_25 = arith.constant 0 : index
    %get3A_26 = arith.constant 0 : index
    %get3A_27 = vector.load %arg7[%get3A_25, %get3A_26] : memref<1x128xf32, #tpu.memory_space<vmem>>, vector<1x128xf32>
    %add3A_28 = vector.broadcast %get3A_27 : vector<1x128xf32> to vector<1000x128xf32>
    %add3A_29 = arith.addf %dot_general3A_24, %add3A_28 : vector<1000x128xf32>
    %swap3A = arith.constant 0 : index
    %swap3A_30 = arith.constant 0 : index
    %swap3A_31 = vector.load %arg8[%swap3A, %swap3A_30] : memref<1000x128xf32, #tpu.memory_space<vmem>>, vector<1000x128xf32>
    tpu.vector_store %arg8[%swap3A, %swap3A_30], %add3A_29 {strides = array<i32>} : memref<1000x128xf32, #tpu.memory_space<vmem>>, vector<1000x128xf32>,
    %reduce_sum3A = arith.constant dense<0.000000e+00> : vector<128xf32>
    %reduce_sum3A_32 = vector.multi_reduction <add>, %add3A_29, %reduce_sum3A [0] : vector<1000x128xf32> to vector<128xf32>
    %broadcast_in_dim3A = vector.shape_cast %reduce_sum3A_32 : vector<128xf32> to vector<1x128xf32>
    %mul3A = arith.mulf %add3A_29, %add3A_29 : vector<1000x128xf32>
    %reduce_sum3A_33 = arith.constant dense<0.000000e+00> : vector<128xf32>
    %reduce_sum3A_34 = vector.multi_reduction <add>, %mul3A, %reduce_sum3A_33 [0] : vector<1000x128xf32> to vector<128xf32>
    %broadcast_in_dim3A_35 = vector.shape_cast %reduce_sum3A_34 : vector<128xf32> to vector<1x128xf32>
    %concatenate3A = tpu.concatenate %broadcast_in_dim3A, %broadcast_in_dim3A_35 in 0 : vector<1x128xf32>, vector<1x128xf32> -> vector<2x128xf32>
    %eq3A = arith.constant 0 : i32
    %eq3A_36 = arith.cmpi eq, %arg0, %eq3A : i32
    %convert_element_type3A = arith.extui %eq3A_36 : i1 to i32
    %cond3A = arith.constant 0 : i32
    %cond3A_37 = arith.cmpi ne, %convert_element_type3A, %cond3A : i32
    scf.if %cond3A_37 {
      %swap3A_42 = arith.constant 0 : index
      %swap3A_43 = arith.constant 0 : index
      %swap3A_44 = vector.load %arg9[%swap3A_42, %swap3A_43] : memref<2x128xf32, #tpu.memory_space<vmem>>, vector<2x128xf32>
      tpu.vector_store %arg9[%swap3A_42, %swap3A_43], %concatenate3A {strides = array<i32>} : memref<2x128xf32, #tpu.memory_space<vmem>>, vector<2x128xf32>,
    } else {
    }
    %gt3A = arith.constant 0 : i32
    %gt3A_38 = arith.cmpi sgt, %arg0, %gt3A : i32
    %convert_element_type3A_39 = arith.extui %gt3A_38 : i1 to i32
    %cond3A_40 = arith.constant 0 : i32
    %cond3A_41 = arith.cmpi ne, %convert_element_type3A_39, %cond3A_40 : i32
    scf.if %cond3A_41 {
      %get3A_42 = arith.constant 0 : index
      %get3A_43 = arith.constant 0 : index
      %get3A_44 = vector.load %arg9[%get3A_42, %get3A_43] : memref<2x128xf32, #tpu.memory_space<vmem>>, vector<2x128xf32>
      %add3A_45 = arith.addf %get3A_44, %concatenate3A : vector<2x128xf32>
      %swap3A_46 = arith.constant 0 : index
      %swap3A_47 = arith.constant 0 : index
      %swap3A_48 = vector.load %arg9[%swap3A_46, %swap3A_47] : memref<2x128xf32, #tpu.memory_space<vmem>>, vector<2x128xf32>
      tpu.vector_store %arg9[%swap3A_46, %swap3A_47], %add3A_45 {strides = array<i32>} : memref<2x128xf32, #tpu.memory_space<vmem>>, vector<2x128xf32>,
    } else {
    }
    return
  }
  func.func @transform_0(%arg0: i32) -> (i32, i32) {
    %c0_i32 = arith.constant 0 : i32
    %c0_i32_0 = arith.constant 0 : i32
    return %arg0, %c0_i32 : i32, i32
  }
  func.func @transform_1(%arg0: i32) -> (i32, i32) {
    %c0_i32 = arith.constant 0 : i32
    %c0_i32_0 = arith.constant 0 : i32
    return %arg0, %c0_i32 : i32, i32
  }
  func.func @transform_2(%arg0: i32) -> (i32, i32) {
    %c0_i32 = arith.constant 0 : i32
    %c0_i32_0 = arith.constant 0 : i32
    return %arg0, %c0_i32 : i32, i32
  }
  func.func @transform_3(%arg0: i32) -> (i32, i32) {
    %c0_i32 = arith.constant 0 : i32
    %c0_i32_0 = arith.constant 0 : i32
    %c0_i32_1 = arith.constant 0 : i32
    return %c0_i32, %c0_i32_0 : i32, i32
  }
  func.func @transform_4(%arg0: i32) -> (i32, i32) {
    %c0_i32 = arith.constant 0 : i32
    %c0_i32_0 = arith.constant 0 : i32
    %c0_i32_1 = arith.constant 0 : i32
    return %c0_i32, %c0_i32_0 : i32, i32
  }
  func.func @transform_5(%arg0: i32) -> (i32, i32) {
    %c0_i32 = arith.constant 0 : i32
    %c0_i32_0 = arith.constant 0 : i32
    %c0_i32_1 = arith.constant 0 : i32
    return %c0_i32, %c0_i32_0 : i32, i32
  }
  func.func @transform_6(%arg0: i32) -> (i32, i32) {
    %c0_i32 = arith.constant 0 : i32
    %c0_i32_0 = arith.constant 0 : i32
    %c0_i32_1 = arith.constant 0 : i32
    return %c0_i32, %c0_i32_0 : i32, i32
  }
  func.func @transform_7(%arg0: i32) -> (i32, i32) {
    %c0_i32 = arith.constant 0 : i32
    %c0_i32_0 = arith.constant 0 : i32
    return %arg0, %c0_i32 : i32, i32
  }
  func.func @transform_8(%arg0: i32) -> (i32, i32) {
    %c0_i32 = arith.constant 0 : i32
    %c0_i32_0 = arith.constant 0 : i32
    %c0_i32_1 = arith.constant 0 : i32
    return %c0_i32, %c0_i32_0 : i32, i32
  }
}

module attributes {stable_mosaic.version = 14 : i64} {
  func.func @_bn_body(%arg0: i32, %arg1: memref<1000x128xf32, #tpu.memory_space<vmem>>, %arg2: memref<2x128xf32, #tpu.memory_space<vmem>>, %arg3: memref<1x128xf32, #tpu.memory_space<vmem>>, %arg4: memref<1x128xf32, #tpu.memory_space<vmem>>, %arg5: memref<1000x128xf32, #tpu.memory_space<vmem>>) attributes {dimension_semantics = [#tpu.dimension_semantics<arbitrary>], iteration_bounds = array<i64: 10>, scalar_prefetch = 0 : i64, scratch_operands = 0 : i64, tpu.core_type = #tpu.core_type<tc>, window_params = [{transform_indices = @transform_0, window_bounds = array<i64: 1000, 128>}, {pipeline_mode = #tpu.pipeline_mode<synchronous>, transform_indices = @transform_1, window_bounds = array<i64: 2, 128>}, {pipeline_mode = #tpu.pipeline_mode<synchronous>, transform_indices = @transform_2, window_bounds = array<i64: 1, 128>}, {pipeline_mode = #tpu.pipeline_mode<synchronous>, transform_indices = @transform_3, window_bounds = array<i64: 1, 128>}, {transform_indices = @transform_4, window_bounds = array<i64: 1000, 128>}]} {
    %get3A = arith.constant 0 : index
    %get3A_0 = arith.constant 0 : index
    %get3A_1 = vector.load %arg2[%get3A, %get3A_0] : memref<2x128xf32, #tpu.memory_space<vmem>>, vector<2x128xf32>
    %slice3A = vector.extract_strided_slice %get3A_1 {offsets = [0, 0], sizes = [1, 128], strides = [1, 1]} : vector<2x128xf32> to vector<1x128xf32>
    %mul3A = arith.constant 9.99999974E-5 : f32
    %mul3A_2 = vector.broadcast %mul3A : f32 to vector<1x128xf32>
    %mul3A_3 = arith.mulf %slice3A, %mul3A_2 : vector<1x128xf32>
    %slice3A_4 = vector.extract_strided_slice %get3A_1 {offsets = [1, 0], sizes = [1, 128], strides = [1, 1]} : vector<2x128xf32> to vector<1x128xf32>
    %mul3A_5 = arith.constant 9.99999974E-5 : f32
    %mul3A_6 = vector.broadcast %mul3A_5 : f32 to vector<1x128xf32>
    %mul3A_7 = arith.mulf %slice3A_4, %mul3A_6 : vector<1x128xf32>
    %mul3A_8 = arith.mulf %mul3A_3, %mul3A_3 : vector<1x128xf32>
    %sub3A = arith.subf %mul3A_7, %mul3A_8 : vector<1x128xf32>
    %add3A = arith.constant 9.99999974E-6 : f32
    %add3A_9 = vector.broadcast %add3A : f32 to vector<1x128xf32>
    %add3A_10 = arith.addf %sub3A, %add3A_9 : vector<1x128xf32>
    %rsqrt3A = math.rsqrt %add3A_10 : vector<1x128xf32>
    %get3A_11 = arith.constant 0 : index
    %get3A_12 = arith.constant 0 : index
    %get3A_13 = vector.load %arg1[%get3A_11, %get3A_12] : memref<1000x128xf32, #tpu.memory_space<vmem>>, vector<1000x128xf32>
    %sub3A_14 = vector.broadcast %mul3A_3 : vector<1x128xf32> to vector<1000x128xf32>
    %sub3A_15 = arith.subf %get3A_13, %sub3A_14 : vector<1000x128xf32>
    %mul3A_16 = vector.broadcast %rsqrt3A : vector<1x128xf32> to vector<1000x128xf32>
    %mul3A_17 = arith.mulf %sub3A_15, %mul3A_16 : vector<1000x128xf32>
    %get3A_18 = arith.constant 0 : index
    %get3A_19 = arith.constant 0 : index
    %get3A_20 = vector.load %arg3[%get3A_18, %get3A_19] : memref<1x128xf32, #tpu.memory_space<vmem>>, vector<1x128xf32>
    %mul3A_21 = vector.broadcast %get3A_20 : vector<1x128xf32> to vector<1000x128xf32>
    %mul3A_22 = arith.mulf %mul3A_17, %mul3A_21 : vector<1000x128xf32>
    %get3A_23 = arith.constant 0 : index
    %get3A_24 = arith.constant 0 : index
    %get3A_25 = vector.load %arg4[%get3A_23, %get3A_24] : memref<1x128xf32, #tpu.memory_space<vmem>>, vector<1x128xf32>
    %add3A_26 = vector.broadcast %get3A_25 : vector<1x128xf32> to vector<1000x128xf32>
    %add3A_27 = arith.addf %mul3A_22, %add3A_26 : vector<1000x128xf32>
    %max3A = arith.constant 0.000000e+00 : f32
    %max3A_28 = vector.broadcast %max3A : f32 to vector<1000x128xf32>
    %max3A_29 = arith.maximumf %add3A_27, %max3A_28 : vector<1000x128xf32>
    %swap3A = arith.constant 0 : index
    %swap3A_30 = arith.constant 0 : index
    %swap3A_31 = vector.load %arg5[%swap3A, %swap3A_30] : memref<1000x128xf32, #tpu.memory_space<vmem>>, vector<1000x128xf32>
    tpu.vector_store %arg5[%swap3A, %swap3A_30], %max3A_29 {strides = array<i32>} : memref<1000x128xf32, #tpu.memory_space<vmem>>, vector<1000x128xf32>,
    return
  }
  func.func @transform_0(%arg0: i32) -> (i32, i32) {
    %c0_i32 = arith.constant 0 : i32
    %c0_i32_0 = arith.constant 0 : i32
    return %arg0, %c0_i32 : i32, i32
  }
  func.func @transform_1(%arg0: i32) -> (i32, i32) {
    %c0_i32 = arith.constant 0 : i32
    %c0_i32_0 = arith.constant 0 : i32
    %c0_i32_1 = arith.constant 0 : i32
    return %c0_i32, %c0_i32_0 : i32, i32
  }
  func.func @transform_2(%arg0: i32) -> (i32, i32) {
    %c0_i32 = arith.constant 0 : i32
    %c0_i32_0 = arith.constant 0 : i32
    %c0_i32_1 = arith.constant 0 : i32
    return %c0_i32, %c0_i32_0 : i32, i32
  }
  func.func @transform_3(%arg0: i32) -> (i32, i32) {
    %c0_i32 = arith.constant 0 : i32
    %c0_i32_0 = arith.constant 0 : i32
    %c0_i32_1 = arith.constant 0 : i32
    return %c0_i32, %c0_i32_0 : i32, i32
  }
  func.func @transform_4(%arg0: i32) -> (i32, i32) {
    %c0_i32 = arith.constant 0 : i32
    %c0_i32_0 = arith.constant 0 : i32
    return %arg0, %c0_i32 : i32, i32
  }
}

module attributes {stable_mosaic.version = 14 : i64} {
  func.func @_pool_body(%arg0: i32, %arg1: memref<1000x128xf32, #tpu.memory_space<vmem>>, %arg2: memref<2x128xf32, #tpu.memory_space<vmem>>, %arg3: memref<1x128xf32, #tpu.memory_space<vmem>>, %arg4: memref<1x128xf32, #tpu.memory_space<vmem>>, %arg5: memref<1x1x1000xi32, #tpu.memory_space<vmem>>, %arg6: memref<128x128xf32, #tpu.memory_space<vmem>>, %arg7: memref<1x128xf32, #tpu.memory_space<vmem>>, %arg8: memref<128x12xf32, #tpu.memory_space<vmem>>, %arg9: memref<1x12xf32, #tpu.memory_space<vmem>>, %arg10: memref<64x12xf32, #tpu.memory_space<vmem>>, %arg11: memref<64x128xf32, #tpu.memory_space<vmem>>, %arg12: memref<64x128xf32, #tpu.memory_space<vmem>>) attributes {dimension_semantics = [#tpu.dimension_semantics<arbitrary>], iteration_bounds = array<i64: 10>, scalar_prefetch = 0 : i64, scratch_operands = 2 : i64, tpu.core_type = #tpu.core_type<tc>, window_params = [{transform_indices = @transform_0, window_bounds = array<i64: 1000, 128>}, {pipeline_mode = #tpu.pipeline_mode<synchronous>, transform_indices = @transform_1, window_bounds = array<i64: 2, 128>}, {pipeline_mode = #tpu.pipeline_mode<synchronous>, transform_indices = @transform_2, window_bounds = array<i64: 1, 128>}, {pipeline_mode = #tpu.pipeline_mode<synchronous>, transform_indices = @transform_3, window_bounds = array<i64: 1, 128>}, {transform_indices = @transform_4, window_bounds = array<i64: 1, 1, 1000>}, {pipeline_mode = #tpu.pipeline_mode<synchronous>, transform_indices = @transform_5, window_bounds = array<i64: 128, 128>}, {pipeline_mode = #tpu.pipeline_mode<synchronous>, transform_indices = @transform_6, window_bounds = array<i64: 1, 128>}, {pipeline_mode = #tpu.pipeline_mode<synchronous>, transform_indices = @transform_7, window_bounds = array<i64: 128, 12>}, {pipeline_mode = #tpu.pipeline_mode<synchronous>, transform_indices = @transform_8, window_bounds = array<i64: 1, 12>}, {pipeline_mode = #tpu.pipeline_mode<synchronous>, transform_indices = @transform_9, window_bounds = array<i64: 64, 12>}]} {
    %get3A = arith.constant 0 : index
    %get3A_0 = arith.constant 0 : index
    %get3A_1 = vector.load %arg2[%get3A, %get3A_0] : memref<2x128xf32, #tpu.memory_space<vmem>>, vector<2x128xf32>
    %slice3A = vector.extract_strided_slice %get3A_1 {offsets = [0, 0], sizes = [1, 128], strides = [1, 1]} : vector<2x128xf32> to vector<1x128xf32>
    %mul3A = arith.constant 9.99999974E-5 : f32
    %mul3A_2 = vector.broadcast %mul3A : f32 to vector<1x128xf32>
    %mul3A_3 = arith.mulf %slice3A, %mul3A_2 : vector<1x128xf32>
    %slice3A_4 = vector.extract_strided_slice %get3A_1 {offsets = [1, 0], sizes = [1, 128], strides = [1, 1]} : vector<2x128xf32> to vector<1x128xf32>
    %mul3A_5 = arith.constant 9.99999974E-5 : f32
    %mul3A_6 = vector.broadcast %mul3A_5 : f32 to vector<1x128xf32>
    %mul3A_7 = arith.mulf %slice3A_4, %mul3A_6 : vector<1x128xf32>
    %mul3A_8 = arith.mulf %mul3A_3, %mul3A_3 : vector<1x128xf32>
    %sub3A = arith.subf %mul3A_7, %mul3A_8 : vector<1x128xf32>
    %add3A = arith.constant 9.99999974E-6 : f32
    %add3A_9 = vector.broadcast %add3A : f32 to vector<1x128xf32>
    %add3A_10 = arith.addf %sub3A, %add3A_9 : vector<1x128xf32>
    %rsqrt3A = math.rsqrt %add3A_10 : vector<1x128xf32>
    %get3A_11 = arith.constant 0 : index
    %get3A_12 = arith.constant 0 : index
    %get3A_13 = vector.load %arg1[%get3A_11, %get3A_12] : memref<1000x128xf32, #tpu.memory_space<vmem>>, vector<1000x128xf32>
    %sub3A_14 = vector.broadcast %mul3A_3 : vector<1x128xf32> to vector<1000x128xf32>
    %sub3A_15 = arith.subf %get3A_13, %sub3A_14 : vector<1000x128xf32>
    %mul3A_16 = vector.broadcast %rsqrt3A : vector<1x128xf32> to vector<1000x128xf32>
    %mul3A_17 = arith.mulf %sub3A_15, %mul3A_16 : vector<1000x128xf32>
    %get3A_18 = arith.constant 0 : index
    %get3A_19 = arith.constant 0 : index
    %get3A_20 = vector.load %arg3[%get3A_18, %get3A_19] : memref<1x128xf32, #tpu.memory_space<vmem>>, vector<1x128xf32>
    %mul3A_21 = vector.broadcast %get3A_20 : vector<1x128xf32> to vector<1000x128xf32>
    %mul3A_22 = arith.mulf %mul3A_17, %mul3A_21 : vector<1000x128xf32>
    %get3A_23 = arith.constant 0 : index
    %get3A_24 = arith.constant 0 : index
    %get3A_25 = vector.load %arg4[%get3A_23, %get3A_24] : memref<1x128xf32, #tpu.memory_space<vmem>>, vector<1x128xf32>
    %add3A_26 = vector.broadcast %get3A_25 : vector<1x128xf32> to vector<1000x128xf32>
    %add3A_27 = arith.addf %mul3A_22, %add3A_26 : vector<1000x128xf32>
    %max3A = arith.constant 0.000000e+00 : f32
    %max3A_28 = vector.broadcast %max3A : f32 to vector<1000x128xf32>
    %max3A_29 = arith.maximumf %add3A_27, %max3A_28 : vector<1000x128xf32>
    %iota3A = tpu.iota {dimensions = array<i32: 0>} : vector<64x1000xi32>
    %get3A_30 = arith.constant 0 : index
    %get3A_31 = arith.constant 0 : index
    %get3A_32 = arith.constant 0 : index
    %get3A_33 = vector.load %arg5[%get3A_30, %get3A_31, %get3A_32] : memref<1x1x1000xi32, #tpu.memory_space<vmem>>, vector<1x1x1000xi32>
    %get3A_34 = vector.shape_cast %get3A_33 : vector<1x1x1000xi32> to vector<1x1000xi32>
    %eq3A = vector.broadcast %get3A_34 : vector<1x1000xi32> to vector<64x1000xi32>
    %eq3A_35 = arith.cmpi eq, %iota3A, %eq3A : vector<64x1000xi32>
    %convert_element_type3A = arith.extui %eq3A_35 : vector<64x1000xi1> to vector<64x1000xi32>
    %convert_element_type3A_36 = arith.sitofp %convert_element_type3A : vector<64x1000xi32> to vector<64x1000xf32>
    %dot_general3A = arith.constant dense<0.000000e+00> : vector<64x128xf32>
    %dot_general3A_37 = tpu.matmul %convert_element_type3A_36, %max3A_29, %dot_general3A {dimension_numbers = #tpu.dot_dimension_numbers<[1], [0], [0], [1], [0, 0, 1, 1], [], []>, transpose_lhs_hint = false} : vector<64x1000xf32>, vector<1000x128xf32>, vector<64x128xf32> -> vector<64x128xf32>
    %reduce_sum3A = arith.constant dense<0.000000e+00> : vector<64xf32>
    %reduce_sum3A_38 = vector.multi_reduction <add>, %convert_element_type3A_36, %reduce_sum3A [1] : vector<64x1000xf32> to vector<64xf32>
    %broadcast_in_dim3A = vector.shape_cast %reduce_sum3A_38 : vector<64xf32> to vector<64x1xf32>
    %broadcast_in_dim3A_39 = vector.shape_cast %broadcast_in_dim3A : vector<64x1xf32> to vector<64x1xf32>
    %broadcast_in_dim3A_40 = vector.broadcast %broadcast_in_dim3A_39 : vector<64x1xf32> to vector<64x128xf32>
    %eq3A_41 = arith.constant 0 : i32
    %eq3A_42 = arith.cmpi eq, %arg0, %eq3A_41 : i32
    %convert_element_type3A_43 = arith.extui %eq3A_42 : i1 to i32
    %cond3A = arith.constant 0 : i32
    %cond3A_44 = arith.cmpi ne, %convert_element_type3A_43, %cond3A : i32
    scf.if %cond3A_44 {
      %swap3A = arith.constant 0 : index
      %swap3A_54 = arith.constant 0 : index
      %swap3A_55 = vector.load %arg11[%swap3A, %swap3A_54] : memref<64x128xf32, #tpu.memory_space<vmem>>, vector<64x128xf32>
      tpu.vector_store %arg11[%swap3A, %swap3A_54], %dot_general3A_37 {strides = array<i32>} : memref<64x128xf32, #tpu.memory_space<vmem>>, vector<64x128xf32>,
      %swap3A_56 = arith.constant 0 : index
      %swap3A_57 = arith.constant 0 : index
      %swap3A_58 = vector.load %arg12[%swap3A_56, %swap3A_57] : memref<64x128xf32, #tpu.memory_space<vmem>>, vector<64x128xf32>
      tpu.vector_store %arg12[%swap3A_56, %swap3A_57], %broadcast_in_dim3A_40 {strides = array<i32>} : memref<64x128xf32, #tpu.memory_space<vmem>>, vector<64x128xf32>,
    } else {
    }
    %gt3A = arith.constant 0 : i32
    %gt3A_45 = arith.cmpi sgt, %arg0, %gt3A : i32
    %convert_element_type3A_46 = arith.extui %gt3A_45 : i1 to i32
    %cond3A_47 = arith.constant 0 : i32
    %cond3A_48 = arith.cmpi ne, %convert_element_type3A_46, %cond3A_47 : i32
    scf.if %cond3A_48 {
      %get3A_54 = arith.constant 0 : index
      %get3A_55 = arith.constant 0 : index
      %get3A_56 = vector.load %arg11[%get3A_54, %get3A_55] : memref<64x128xf32, #tpu.memory_space<vmem>>, vector<64x128xf32>
      %add3A_57 = arith.addf %get3A_56, %dot_general3A_37 : vector<64x128xf32>
      %swap3A = arith.constant 0 : index
      %swap3A_58 = arith.constant 0 : index
      %swap3A_59 = vector.load %arg11[%swap3A, %swap3A_58] : memref<64x128xf32, #tpu.memory_space<vmem>>, vector<64x128xf32>
      tpu.vector_store %arg11[%swap3A, %swap3A_58], %add3A_57 {strides = array<i32>} : memref<64x128xf32, #tpu.memory_space<vmem>>, vector<64x128xf32>,
      %get3A_60 = arith.constant 0 : index
      %get3A_61 = arith.constant 0 : index
      %get3A_62 = vector.load %arg12[%get3A_60, %get3A_61] : memref<64x128xf32, #tpu.memory_space<vmem>>, vector<64x128xf32>
      %add3A_63 = arith.addf %get3A_62, %broadcast_in_dim3A_40 : vector<64x128xf32>
      %swap3A_64 = arith.constant 0 : index
      %swap3A_65 = arith.constant 0 : index
      %swap3A_66 = vector.load %arg12[%swap3A_64, %swap3A_65] : memref<64x128xf32, #tpu.memory_space<vmem>>, vector<64x128xf32>
      tpu.vector_store %arg12[%swap3A_64, %swap3A_65], %add3A_63 {strides = array<i32>} : memref<64x128xf32, #tpu.memory_space<vmem>>, vector<64x128xf32>,
    } else {
    }
    %eq3A_49 = arith.constant 9 : i32
    %eq3A_50 = arith.cmpi eq, %arg0, %eq3A_49 : i32
    %convert_element_type3A_51 = arith.extui %eq3A_50 : i1 to i32
    %cond3A_52 = arith.constant 0 : i32
    %cond3A_53 = arith.cmpi ne, %convert_element_type3A_51, %cond3A_52 : i32
    scf.if %cond3A_53 {
      %get3A_54 = arith.constant 0 : index
      %get3A_55 = arith.constant 0 : index
      %get3A_56 = vector.load %arg11[%get3A_54, %get3A_55] : memref<64x128xf32, #tpu.memory_space<vmem>>, vector<64x128xf32>
      %get3A_57 = arith.constant 0 : index
      %get3A_58 = arith.constant 0 : index
      %get3A_59 = vector.load %arg12[%get3A_57, %get3A_58] : memref<64x128xf32, #tpu.memory_space<vmem>>, vector<64x128xf32>
      %max3A_60 = arith.constant 1.000000e+00 : f32
      %max3A_61 = vector.broadcast %max3A_60 : f32 to vector<64x128xf32>
      %max3A_62 = arith.maximumf %get3A_59, %max3A_61 : vector<64x128xf32>
      %div3A = arith.divf %get3A_56, %max3A_62 : vector<64x128xf32>
      %get3A_63 = arith.constant 0 : index
      %get3A_64 = arith.constant 0 : index
      %get3A_65 = vector.load %arg6[%get3A_63, %get3A_64] : memref<128x128xf32, #tpu.memory_space<vmem>>, vector<128x128xf32>
      %dot_general3A_66 = arith.constant dense<0.000000e+00> : vector<64x128xf32>
      %dot_general3A_67 = tpu.matmul %div3A, %get3A_65, %dot_general3A_66 {dimension_numbers = #tpu.dot_dimension_numbers<[1], [0], [0], [1], [0, 0, 1, 1], [], []>, transpose_lhs_hint = false} : vector<64x128xf32>, vector<128x128xf32>, vector<64x128xf32> -> vector<64x128xf32>
      %get3A_68 = arith.constant 0 : index
      %get3A_69 = arith.constant 0 : index
      %get3A_70 = vector.load %arg7[%get3A_68, %get3A_69] : memref<1x128xf32, #tpu.memory_space<vmem>>, vector<1x128xf32>
      %add3A_71 = vector.broadcast %get3A_70 : vector<1x128xf32> to vector<64x128xf32>
      %add3A_72 = arith.addf %dot_general3A_67, %add3A_71 : vector<64x128xf32>
      %max3A_73 = arith.constant 0.000000e+00 : f32
      %max3A_74 = vector.broadcast %max3A_73 : f32 to vector<64x128xf32>
      %max3A_75 = arith.maximumf %add3A_72, %max3A_74 : vector<64x128xf32>
      %get3A_76 = arith.constant 0 : index
      %get3A_77 = arith.constant 0 : index
      %get3A_78 = vector.load %arg8[%get3A_76, %get3A_77] : memref<128x12xf32, #tpu.memory_space<vmem>>, vector<128x12xf32>
      %dot_general3A_79 = arith.constant dense<0.000000e+00> : vector<64x12xf32>
      %dot_general3A_80 = tpu.matmul %max3A_75, %get3A_78, %dot_general3A_79 {dimension_numbers = #tpu.dot_dimension_numbers<[1], [0], [0], [1], [0, 0, 1, 1], [], []>, transpose_lhs_hint = false} : vector<64x128xf32>, vector<128x12xf32>, vector<64x12xf32> -> vector<64x12xf32>
      %get3A_81 = arith.constant 0 : index
      %get3A_82 = arith.constant 0 : index
      %get3A_83 = vector.load %arg9[%get3A_81, %get3A_82] : memref<1x12xf32, #tpu.memory_space<vmem>>, vector<1x12xf32>
      %add3A_84 = vector.broadcast %get3A_83 : vector<1x12xf32> to vector<64x12xf32>
      %add3A_85 = arith.addf %dot_general3A_80, %add3A_84 : vector<64x12xf32>
      %swap3A = arith.constant 0 : index
      %swap3A_86 = arith.constant 0 : index
      %swap3A_87 = vector.load %arg10[%swap3A, %swap3A_86] : memref<64x12xf32, #tpu.memory_space<vmem>>, vector<64x12xf32>
      tpu.vector_store %arg10[%swap3A, %swap3A_86], %add3A_85 {strides = array<i32>} : memref<64x12xf32, #tpu.memory_space<vmem>>, vector<64x12xf32>,
    } else {
    }
    return
  }
  func.func @transform_0(%arg0: i32) -> (i32, i32) {
    %c0_i32 = arith.constant 0 : i32
    %c0_i32_0 = arith.constant 0 : i32
    return %arg0, %c0_i32 : i32, i32
  }
  func.func @transform_1(%arg0: i32) -> (i32, i32) {
    %c0_i32 = arith.constant 0 : i32
    %c0_i32_0 = arith.constant 0 : i32
    %c0_i32_1 = arith.constant 0 : i32
    return %c0_i32, %c0_i32_0 : i32, i32
  }
  func.func @transform_2(%arg0: i32) -> (i32, i32) {
    %c0_i32 = arith.constant 0 : i32
    %c0_i32_0 = arith.constant 0 : i32
    %c0_i32_1 = arith.constant 0 : i32
    return %c0_i32, %c0_i32_0 : i32, i32
  }
  func.func @transform_3(%arg0: i32) -> (i32, i32) {
    %c0_i32 = arith.constant 0 : i32
    %c0_i32_0 = arith.constant 0 : i32
    %c0_i32_1 = arith.constant 0 : i32
    return %c0_i32, %c0_i32_0 : i32, i32
  }
  func.func @transform_4(%arg0: i32) -> (i32, i32, i32) {
    %c0_i32 = arith.constant 0 : i32
    %c0_i32_0 = arith.constant 0 : i32
    %c0_i32_1 = arith.constant 0 : i32
    return %arg0, %c0_i32, %c0_i32_0 : i32, i32, i32
  }
  func.func @transform_5(%arg0: i32) -> (i32, i32) {
    %c0_i32 = arith.constant 0 : i32
    %c0_i32_0 = arith.constant 0 : i32
    %c0_i32_1 = arith.constant 0 : i32
    return %c0_i32, %c0_i32_0 : i32, i32
  }
  func.func @transform_6(%arg0: i32) -> (i32, i32) {
    %c0_i32 = arith.constant 0 : i32
    %c0_i32_0 = arith.constant 0 : i32
    %c0_i32_1 = arith.constant 0 : i32
    return %c0_i32, %c0_i32_0 : i32, i32
  }
  func.func @transform_7(%arg0: i32) -> (i32, i32) {
    %c0_i32 = arith.constant 0 : i32
    %c0_i32_0 = arith.constant 0 : i32
    %c0_i32_1 = arith.constant 0 : i32
    return %c0_i32, %c0_i32_0 : i32, i32
  }
  func.func @transform_8(%arg0: i32) -> (i32, i32) {
    %c0_i32 = arith.constant 0 : i32
    %c0_i32_0 = arith.constant 0 : i32
    %c0_i32_1 = arith.constant 0 : i32
    return %c0_i32, %c0_i32_0 : i32, i32
  }
  func.func @transform_9(%arg0: i32) -> (i32, i32) {
    %c0_i32 = arith.constant 0 : i32
    %c0_i32_0 = arith.constant 0 : i32
    %c0_i32_1 = arith.constant 0 : i32
    return %c0_i32, %c0_i32_0 : i32, i32
  }
}

</mosaic_0001>

<sc_bundles>
// kernel: kernel.11.cloned.1.call-start
scs
__scs_entry_jumppad:
0x0: {  	(pc) =	sbr.rel $0x88, $3  }
0x1: {  	(tag) =	ssettag $0x0;
	lr =	simm.s32 $0x1  }
0x2: {  	[smem:$0x3F88] =	sst lr;
	_ =	strace $0xD0000000  }
0x3: {  	_ = 	snop  }
0x4: {  	_ = 	snop  }
0x5: {  	_ = 	snop  }
0x6: {  	_ = 	snop  }
0x7: {  	_ = 	snop  }
__scs_overlays_trampoline_lowered:
0x8: {  	[smem:$0x3F97] =	sst s0  }
0x9: {  	[smem:$0x3F98] =	sst s1  }
0xa: {  	[smem:$0x3F99] =	sst s2  }
0xb: {  	[smem:$0x3F9A] =	sst s3  }
0xc: {  	[smem:$0x3F9B] =	sst s4  }
0xd: {  	[smem:$0x3F9C] =	sst s5  }
0xe: {  	[smem:$0x3F9D] =	sst s6  }
0xf: {  	[smem:$0x3F9E] =	sst s7  }
0x10: {  	[smem:$0x3F9F] =	sst s8  }
0x11: {  	[smem:$0x3FA0] =	sst s9;
	s0 =	simm.s32 @!p0 $0x0  }
0x12: {  	s1 =	sld [smem:$0x3F86];
	s0 =	simm.s32 @p0 $0x1  }
0x13: {  	[smem:$0x3FA1] =	sst s0;
	s0 =	simm.s32 @!p1 $0x0  }
0x14: {  	s2 =	sld [smem:$0x3F85];
	s0 =	simm.s32 @p1 $0x1  }
0x15: {  	[smem:$0x3FA2] =	sst s0;
	s0 =	simm.s32 @!p2 $0x0  }
0x16: {  	s3 =	sld [smem:$0x3FDB];
	s0 =	simm.s32 @p2 $0x1  }
0x17: {  	s4 =	simm.s32 $0x1BF5;
	[smem:$0x3FA4] =	sst s0  }
0x18: {  	s0 =	sld [smem:$0x3F87];
	_ =	swait.ge [sflag:s4], $0x0  }
0x19: {  	s7 =	sld [smem:$0x3F88]  }
0x1a: {  	s8 =	sadd.s32 $0xFFFFE003, lr  }
0x1b: {  	s9 =	sadd.s32 $0xFFFFFEF7, lr;
	s5 =	simm.s32 $0xFFFFFFFF;
	p2 =	slt.u32 s8, $0xFFFFF086  }
0x1c: {  	p1 =	slt.u32 s9, $0xF7A;
	s5 =	simm.s32 @!p2 $0x0  }
0x1d: {  	s5 =	simm.s32 @p1 $0x1;
	p0 =	seq.s32 s7, s2  }
0x1e: {  	s7 =	smul.u32 @!p0 $0xF7A, s2;
	p2 =	seq.s32 @!p0 s5, $0x0  }
0x1f: {  	s9 =	smul.u32 $0xF7A, s1;
	s8 =	simm.s32 @!p0 $0x1BF5;
	p2 =	por !p2, p0  }
0x20: {  	[sflag:s8] =	ssyncset.s32 @!p0 $0xFFFFF086;
	s6 =	sadd.s32 @!p0 s3, s7;
	s7 =	simm.s32 @!p0 $0x108  }
0x21: {  	s3 =	sadd.s32 s3, s9;
	s6 =	sadd.s32 @!p0 $0x88, s6;
	s7 =	simm.s32 @p2 $0x1082  }
0x22: {  	[simem:s7], [sflag:s8] =	dma.local @!p0 [hbm:s6], $0xF7A  }
0x23: {  	s9 =	sor.u32 $0xD0000000, s2;
	s6 =	simm.s32 $0x108;
	_ =	swait.ge @!p0 [sflag:s8], $0x0  }
0x24: {  	s3 =	sadd.s32 $0x88, s3;
	s6 =	simm.s32 @!p1 $0x1082;
	[sflag:s4] =	ssyncset.s32 $0xFFFFF086  }
0x25: {  	[simem:s6], [sflag:s4] =	dma.local [hbm:s3], $0xF7A  }
0x26: {  	[smem:$0x3F88] =	sst s1;
	(tag) =	ssettag s2;
	_ =	strace s9  }
0x27: {  	s1 =	sld [smem:$0x3F98]  }
0x28: {  	s2 =	sld [smem:$0x3F99]  }
0x29: {  	s4 =	sld [smem:$0x3F9B]  }
0x2a: {  	p0 =	seq.s32 s5, $0x0;
	s5 =	sld [smem:$0x3F9C]  }
0x2b: {  	s6 =	sld [smem:$0x3F9D]  }
0x2c: {  	s7 =	sld [smem:$0x3F9E]  }
0x2d: {  	s3 =	simm.s32 $0x108;
	s8 =	sld [smem:$0x3F9F]  }
0x2e: {  	s3 =	simm.s32 @!p0 $0x1082;
	s9 =	sld [smem:$0x3FA0]  }
0x2f: {  	lr =	sadd.s32 s0, s3;
	s0 =	sld [smem:$0x3F97]  }
0x30: {  	s3 =	sld [smem:$0x3F9A]  }
0x31: {  	[smem:$0x3FA3] =	sst s10  }
0x32: {  	s10 =	sld [smem:$0x3FA1];
	_ =	sdelay $0x3  }
0x33: {  	p0 =	seq.s32 s10, $0x1;
	s10 =	sld [smem:$0x3FA3];
	_ =	sdelay $0x3  }
0x34: {  	[smem:$0x3FA3] =	sst s10  }
0x35: {  	s10 =	sld [smem:$0x3FA2];
	_ =	sdelay $0x3  }
0x36: {  	p1 =	seq.s32 s10, $0x1;
	s10 =	sld [smem:$0x3FA3];
	_ =	sdelay $0x3  }
0x37: {  	[smem:$0x3FA3] =	sst s10  }
0x38: {  	s10 =	sld [smem:$0x3FA4]  }
0x39: {  	_ = 	snop;
	(pc) =	sbr.ind lr, $3  }
0x3a: {  	_ = 	snop  }
0x3b: {  	_ = 	snop  }
0x3c: {  	p2 =	seq.s32 s10, $0x1;
	s10 =	sld [smem:$0x3FA3]  }
0x3d: {  	_ =	shalt  }
0x3e: {  	_ =	shalt  }
0x3f: {  	_ =	shalt  }
0x40: {  	_ =	shalt  }
0x41: {  	_ =	shalt  }
0x42: {  	_ =	shalt  }
0x43: {  	_ =	shalt  }
0x44: {  	_ =	shalt  }
0x45: {  	_ =	shalt  }
0x46: {  	_ =	shalt  }
0x47: {  	_ =	shalt  }
0x48: {  	_ =	shalt  }
0x49: {  	_ =	shalt  }
0x4a: {  	_ =	shalt  }
0x4b: {  	_ =	shalt  }
0x4c: {  	_ =	shalt  }
0x4d: {  	_ =	shalt  }
0x4e: {  	_ =	shalt  }
0x4f: {  	_ =	shalt  }
0x50: {  	_ =	shalt  }
0x51: {  	_ =	shalt  }
0x52: {  	_ =	shalt  }
0x53: {  	_ =	shalt  }
0x54: {  	_ =	shalt  }
0x55: {  	_ =	shalt  }
0x56: {  	_ =	shalt  }
0x57: {  	_ =	shalt  }
0x58: {  	_ =	shalt  }
0x59: {  	_ =	shalt  }
0x5a: {  	_ =	shalt  }
0x5b: {  	_ =	shalt  }
0x5c: {  	_ =	shalt  }
0x5d: {  	_ =	shalt  }
0x5e: {  	_ =	shalt  }
0x5f: {  	_ =	shalt  }
0x60: {  	_ =	shalt  }
0x61: {  	_ =	shalt  }
0x62: {  	_ =	shalt  }
0x63: {  	_ =	shalt  }
0x64: {  	_ =	shalt  }
0x65: {  	_ =	shalt  }
0x66: {  	_ =	shalt  }
0x67: {  	_ =	shalt  }
0x68: {  	_ =	shalt  }
0x69: {  	_ =	shalt  }
0x6a: {  	_ =	shalt  }
0x6b: {  	_ =	shalt  }
0x6c: {  	_ =	shalt  }
0x6d: {  	_ =	shalt  }
0x6e: {  	_ =	shalt  }
0x6f: {  	_ =	shalt  }
0x70: {  	_ =	shalt  }
0x71: {  	_ =	shalt  }
0x72: {  	_ =	shalt  }
0x73: {  	_ =	shalt  }
0x74: {  	_ =	shalt  }
0x75: {  	_ =	shalt  }
0x76: {  	_ =	shalt  }
0x77: {  	_ =	shalt  }
0x78: {  	_ =	shalt  }
0x79: {  	_ =	shalt  }
0x7a: {  	_ =	shalt  }
0x7b: {  	_ =	shalt  }
0x7c: {  	_ =	shalt  }
0x7d: {  	_ =	shalt  }
0x7e: {  	_ =	shalt  }
0x7f: {  	_ =	shalt  }
0x80: {  	_ =	shalt  }
0x81: {  	_ =	shalt  }
0x82: {  	_ =	shalt  }
0x83: {  	_ =	shalt  }
0x84: {  	_ =	shalt  }
0x85: {  	_ =	shalt  }
0x86: {  	_ =	shalt  }
0x87: {  	_ =	shalt  }
.Lfunc_end0:
.L_simem_size_0:
called_computation_lowered:
.L_overlay_start_0:
0x88: {  	s2 =	sld [smem:$0x3FD9]  }
0x89: {  	s3 =	sld [smem:$0x3FFE];
	_ =	sdelay $0x1  }
0x8a: {  	s1 =	srdreg.scid  }
0x8b: {  	s0 =	sand.u32 $0x1, s1  }
0x8c: {  	s17 =	sshll.u32 s0, $0xA;
	s2 =	sadd.s32 s3, s2  }
0x8d: {  	s2 =	sadd.s32 s2, s17  }
0x8e: {  	[smem:$0x3FAF] =	sst s2  }
0x8f: {  	_ = 	snop  }
0x90: {  	s2 =	sld [smem:$0x3FC9];
	(tm) =	ssettm $0x1  }
0x91: {  	s18 =	sld [smem:$0x3FFB];
	_ =	sdelay $0x3  }
0x92: {  	_ =	strace s18  }
0x93: {  	s3 =	sld [smem:$0x3FFC];
	_ =	sdelay $0x3  }
0x94: {  	_ =	strace s3  }
0x95: {  	s3 =	sld [smem:$0x3FFD];
	_ =	sdelay $0x3  }
0x96: {  	_ =	strace s3  }
0x97: {  	_ =	strace $0x8FFFFFFF  }
0x98: {  	s19 =	sld [smem:$0x3FDB];
	_ =	sdelay $0x1  }
0x99: {  	s4 =	simm.s32 $_scs_section_size  }
0x9a: {  	s5 =	simm.s32 $_size__tile_overlayer_lowered;
	s6 =	simm.s32 $_tile_overlayer_lowered  }
0x9b: {  	s22 =	simm.s32 $0x1BFF;
	s21 =	sshll.u32 s6, $0x1;
	s3 =	sadd.s32 s4, s19  }
0x9c: {  	s7 =	simm.s32 $0x0;
	s20 =	sshll.u32 s5, $0x1;
	s5 =	sadd.s32 s21, s3  }
0x9d: {  	[timem:s7], [sflag:s22] =	dma.local [hbm:s5], s20  }
0x9e: {  	_ =	swait.ge [sflag:s22], s20  }
0x9f: {  	s4 =	ssub.s32 $0x0, s20;
	[sflag:s22] =	ssyncset.done $0x0  }
0xa0: {  	[sflag:s22] =	ssyncadd.s32 s4;
	_ =	sdelay $0x1  }
0xa1: {  	s23 =	simm.s32 $0x1B8B  }
0xa2: {  	_ =	swait.ge [sflag:s23], $0x1  }
0xa3: {  	[sflag:s23] =	ssyncset.done $0x0  }
0xa4: {  	s25 =	simm.s32 $0x1B8E;
	s24 =	sld [smem:$0x3FFE];
	[sflag:s23] =	ssyncadd.s32 $0xFFFFFFFF  }
0xa5: {  	s26 =	simm.s32 $execute0_lowered;
	[smem:$0x3FD2] =	sst s25  }
0xa6: {  	s5 =	sshll.u32 s26, $0x1;
	_ =	strace $0x80000046;
	[dreg:$0x1] =	wrdreg $0xFFFFFFFF  }
0xa7: {  	s28 =	simm.s32 $_size_execute0_lowered;
	s3 =	sadd.s32 s3, s5;
	[dreg:$0x0] =	wrdreg $0x0  }
0xa8: {  	s5 =	sshll.u32 s28, $0x1;
	[dreg:$0x2] =	wrdreg s3  }
0xa9: {  	[dreg:$0x3] =	wrdreg s5  }
0xaa: {  	[dreg:$0x4] =	wrdreg $0xC0  }
0xab: {  	_ =	task [dreg:s7], $0x5FFFF  }
0xac: {  	[dreg:$0x1] =	wrdreg $0xFFFFFFFF  }
0xad: {  	[dreg:$0x0] =	wrdreg $0x60  }
0xae: {  	[dreg:$0x2] =	wrdreg s2  }
0xaf: {  	[dreg:$0x3] =	wrdreg s24  }
0xb0: {  	[dreg:$0x4] =	wrdreg $0x90000  }
0xb1: {  	[dreg:$0x5] =	wrdreg $0x9  }
0xb2: {  	_ =	task.clear_ibuf [dreg:s7], $0x6FFFF;
	_ =	strace $0x90000046  }
0xb3: {  	s29 =	simm.s32 $0x9;
	_ =	strace $0x80000048  }
0xb4: {  	_ =	swait.ge [sflag:s29], $0x1  }
0xb5: {  	[sflag:s29] =	ssyncadd.s32 $0xFFFFFFFF  }
0xb6: {  	_ =	strace $0x90000048  }
0xb7: {  	_ =	sfence  }
0xb8: {  	s30 =	sld [smem:$0x0];
	_ =	sdelay $0x2  }
0xb9: {  	s31 =	sshll.u32 s1, $0xD;
	s1 =	sshrl.u32 s1, $0x2  }
0xba: {  	s3 =	sand.u32 $0x4000, s31;
	s1 =	sadd.s32 s1, s30  }
0xbb: {  	s0 =	sor.u32 s3, s0;
	s1 =	sshll.u32 s1, $0x11  }
0xbc: {  	s0 =	sor.u32 s1, s0  }
0xbd: {  	s0 =	sadd.s32 $0x8F2B, s0  }
0xbe: {  	[sflag:s0] =	ssyncadd.remote.s32 $0x1  }
0xbf: {  	_ =	sfence.sel $0xFFFF  }
0xc0: {  	[dreg:$0x0] =	wrdreg $0xFFFFFFFF;
	(pc) =	sbr.abs _section_cstart, $3  }
0xc1: {  	[dreg:$0x1] =	wrdreg $0xFFFFFFFF  }
0xc2: {  	_ =	task.clear_ibuf [dreg:s7], $0x2FFFF;
	_ =	strace $0x9FFFFFFF  }
0xc3: {  	(tm) =	ssettm $0x7FFFFFFF  }
tec
execute0_lowered:
.L_overlay_start_1:
0x0: {  	(tag) =	ssettag $0x1  }
0x1: {  	s1 =	rddreg [dreg:$0x0]  }
0x2: {  	s2 =	srdreg.scid;
	s9 =	rddreg [dreg:$0x1]  }
0x3: {  	s0 =	stileid.u32;
	s3 =	rddreg [dreg:$0x2];
	s4 =	simm.s32 $0x0  }
0x4: {  	s13 =	simm.s32 $0x44000;
	s15 =	simm.s32 $0x5000;
	s16 =	simm.s32 $0x1  }
0x5: {  	s17 =	simm.s32 $0x0;
	s6 =	sand.u32 $0x1, s2;
	s2 =	rddreg [dreg:$0x3]  }
0x6: {  	s29 =	sshll.u32 s0, $0x1;
	[smem:$0x7FF] =	sst s4;
	s7 =	smul.u32 $0x4F000, s0  }
0x7: {  	s30 =	sshll.u32 s0, $0x6;
	s14 =	smul.u32 $0x2780, s0;
	s5 =	sor.u32 s6, s29  }
0x8: {  	_ =	strace $0x80000047;
	s8 =	ssub.s32 $0x2, s6;
	p0 =	seq.s32 s6, $0x1  }
0x9: {  	s6 =	sor.u32 $0x1C02, s30;
	s5 =	smul.u32 $0x500, s5;
	s11 =	sshrl.u32 s8, $0x1  }
0xa: {  	s7 =	sshrl.u32 s7, $0x2;
	s13 =	simm.s32 @!p0 $0x1C800;
	s11 =	ssub.s32 s8, s11  }
0xb: {  	s12 =	sadd.s32 s7, s3;
	s31 =	sadd.s32 s13, s9;
	s13 =	simm.s32 $0x2800  }
0xc: {  	s10 =	sadd.s32 s5, s9;
	s5 =	sadd.s32 $0x1A000, s9;
	s9 =	smax.u32 s11, $0x1  }
0xd: {  	s11 =	sshrl.u32 s12, $0x3;
	s12 =	simm.s32 $0x2;
	s7 =	sadd.s32 $0x6000, s10  }
0xe: {  	s8 =	sadd.s32 $0x10000, s10;
	s10 =	sadd.s32 s31, s14;
	s14 =	simm.s32 $0x80  }
.LBB2_1:
0xf: {  	[spmem:s11], [sflag:s6] =	dma.local [hbm:s5], $0x2780  }
0x10: {  	_ =	swait.ge [sflag:s12], $0x2780  }
0x11: {  	[sflag:s12] =	ssyncset.done $0x0  }
0x12: {  	[sflag:s12] =	ssyncadd.s32 $0xFFFFD880  }
0x13: {  	[tilespmem:s4], [sflag:$0x2] =	stream.linear.gather [hbm4b:s7+s4], $0x2780, $0x38;
	[tilespmem:$0x1CC00] =	vst v63  }
0x14: {  	_ =	swait.ge [sflag:s12], $0x2780  }
0x15: {  	[sflag:s12] =	ssyncset.done $0x0  }
0x16: {  	[sflag:s12] =	ssyncadd.s32 $0xFFFFD880  }
0x17: {  	[tilespmem:s13], [sflag:$0x2] =	stream.linear.gather [hbm4b:s8+s4], $0x2780, $0x38;
	[tilespmem:$0x1CC00] =	vst v63  }
0x18: {  	_ =	swait.ge [sflag:s12], $0x2780  }
0x19: {  	[sflag:s12] =	ssyncset.done $0x0  }
0x1a: {  	[sflag:s12] =	ssyncadd.s32 $0xFFFFD880  }
0x1b: {  	s18 =	simm.s32 $0x0;
	[bflag:$0x0] =	sbarrier.arrive $0xFFFF  }
0x1c: {  	[tilespmem:s15], [sflag:$0x1] =	stream.indirect.gather [hbm4b:s1+s14], $0x80, s18, s14, $0xb8;
	[tilespmem:$0x1CC00] =	vst v63  }
0x1d: {  	_ =	swait.ge [sflag:s16], $0x4000  }
0x1e: {  	[sflag:s16] =	ssyncset.done $0x0  }
0x1f: {  	s31 =	simm.s32 $0x2800;
	[sflag:s16] =	ssyncadd.s32 $0xFFFFC000  }
0x20: {  	[spmem:s3] =	stream.indirect.scatter.add.f32 [tilespmem:s15], [sflag:$0x2], $0x80, s31, s14, $0xb8;
	[tilespmem:$0x1CC00] =	vst v63  }
0x21: {  	_ =	swait.ge [sflag:s12], $0x4000  }
0x22: {  	s19 =	simm.s32 $0x400;
	s18 =	simm.s32 $0x200;
	[sflag:s12] =	ssyncset.done $0x0  }
.LBB2_2:
0x23: {  	s20 =	sshra.s32 s18, $0x2  }
0x24: {  	[sflag:s12] =	ssyncadd.s32 $0xFFFFC000;
	s18 =	smov.u32 s19;
	s21 =	sadd.s32 $0x200, s19  }
0x25: {  	[tilespmem:s15], [sflag:$0x1] =	stream.indirect.gather [hbm4b:s1+s14], $0x80, s20, s14, $0xb8;
	[tilespmem:$0x1CC00] =	vst v63  }
0x26: {  	p0 =	sne.s32 s19, $0x9C00;
	_ =	swait.ge [sflag:s16], $0x4000  }
.Ltmp0:
0x27: {  	[sflag:s16] =	ssyncset.done $0x0;
	(pc) =	sbr.rel @p0 .LBB2_2-.Ltmp0, $4  }
0x28: {  	s19 =	sadd.s32 $0x2800, s20;
	[sflag:s16] =	ssyncadd.s32 $0xFFFFC000  }
0x29: {  	[spmem:s3] =	stream.indirect.scatter.add.f32 [tilespmem:s15], [sflag:$0x2], $0x80, s19, s14, $0xb8;
	[tilespmem:$0x1CC00] =	vst v63  }
0x2a: {  	_ =	swait.ge [sflag:s12], $0x4000  }
0x2b: {  	s19 =	smov.u32 s21;
	[sflag:s12] =	ssyncset.done $0x0  }
0x2c: {  	s18 =	sshra.s32 s18, $0x2;
	[sflag:s12] =	ssyncadd.s32 $0xFFFFC000  }
0x2d: {  	[tilespmem:s15], [sflag:$0x1] =	stream.indirect.gather [hbm4b:s1+s14], $0x80, s18, s14, $0xb8;
	[tilespmem:$0x1CC00] =	vst v63  }
0x2e: {  	_ =	swait.ge [sflag:s16], $0x4000  }
0x2f: {  	[sflag:s16] =	ssyncset.done $0x0  }
0x30: {  	s18 =	sadd.s32 $0x2800, s18;
	[sflag:s16] =	ssyncadd.s32 $0xFFFFC000  }
0x31: {  	[spmem:s3] =	stream.indirect.scatter.add.f32 [tilespmem:s15], [sflag:$0x2], $0x80, s18, s14, $0xb8;
	[tilespmem:$0x1CC00] =	vst v63  }
0x32: {  	_ =	swait.ge [sflag:s12], $0x4000  }
0x33: {  	s17 =	sadd.s32 $0x1, s17;
	[sflag:s12] =	ssyncset.done $0x0  }
0x34: {  	p0 =	sne.s32 s17, s9;
	[sflag:s12] =	ssyncadd.s32 $0xFFFFC000  }
.Ltmp1:
0x35: {  	[bflag:$0x0] =	sbarrier.arrive $0xFFFF;
	(pc) =	sbr.rel @p0 .LBB2_1-.Ltmp1, $4  }
0x36: {  	[hbm:s10], [sflag:s6] =	dma.local [spmem:s11], $0x2780  }
0x37: {  	_ =	swait.ge [sflag:s12], $0x2780  }
0x38: {  	[sflag:s12] =	ssyncset.done $0x0  }
0x39: {  	[sflag:s12] =	ssyncadd.s32 $0xFFFFD880  }
0x3a: {  	_ =	sfence.sel $0x180000  }
0x3b: {  	[bflag:$0x0] =	sbarrier.arrive $0xFFFF  }
0x3c: {  	p0 =	sne.s32 s0, $0x0;
	_ =	strace $0x90000047  }
0x3d: {  	s0 =	sadd.s32 @!p0 $0x100000, s2;
	[bflag:$0x2] =	sbarrier.arrive $0xFFFF  }
0x3e: {  	[sflag:s0] =	ssyncadd.tile.s32 @!p0 $0x1;
	_ =	shalt  }
.Lfunc_end2:
_tile_overlayer_lowered:
.L_overlay_start_2:
0x3f: {  	(tag) =	ssettag $0x2  }
0x40: {  	s0 =	rddreg [dreg:$0x0];
	s2 =	stileid.u32  }
0x41: {  	s1 =	rddreg [dreg:$0x1];
	p0 =	sne.s32 s2, $0x0  }
0x42: {  	s3 =	rddreg [dreg:$0x2];
	[bflag:$0x3] =	sbarrier.arrive $0xFFFF;
	s2 =	simm.s32 @!p0 $0x1C02  }
0x43: {  	[timem:s3], [sflag:s2] =	dma.local @!p0 [hbm:s0], s1  }
0x44: {  	s0 =	simm.s32 @!p0 $0x2  }
0x45: {  	_ =	swait.ge @!p0 [sflag:s0], s1  }
0x46: {  	s1 =	ssub.s32 @!p0 $0x0, s1;
	[sflag:s0] =	ssyncset.done @!p0 $0x0  }
0x47: {  	[sflag:s0] =	ssyncadd.s32 @!p0 s1  }
0x48: {  	[bflag:$0x3] =	sbarrier.arrive $0xFFFF  }
0x49: {  	_ =	shalt  }

// kernel: kernel.14.cloned.1.call-start
scs
__scs_entry_jumppad:
0x0: {  	(pc) =	sbr.rel $0x88, $3  }
0x1: {  	(tag) =	ssettag $0x0;
	lr =	simm.s32 $0x1  }
0x2: {  	[smem:$0x3F88] =	sst lr;
	_ =	strace $0xD0000000  }
0x3: {  	_ = 	snop  }
0x4: {  	_ = 	snop  }
0x5: {  	_ = 	snop  }
0x6: {  	_ = 	snop  }
0x7: {  	_ = 	snop  }
__scs_overlays_trampoline_lowered:
0x8: {  	[smem:$0x3F97] =	sst s0  }
0x9: {  	[smem:$0x3F98] =	sst s1  }
0xa: {  	[smem:$0x3F99] =	sst s2  }
0xb: {  	[smem:$0x3F9A] =	sst s3  }
0xc: {  	[smem:$0x3F9B] =	sst s4  }
0xd: {  	[smem:$0x3F9C] =	sst s5  }
0xe: {  	[smem:$0x3F9D] =	sst s6  }
0xf: {  	[smem:$0x3F9E] =	sst s7  }
0x10: {  	[smem:$0x3F9F] =	sst s8  }
0x11: {  	[smem:$0x3FA0] =	sst s9;
	s0 =	simm.s32 @!p0 $0x0  }
0x12: {  	s1 =	sld [smem:$0x3F86];
	s0 =	simm.s32 @p0 $0x1  }
0x13: {  	[smem:$0x3FA1] =	sst s0;
	s0 =	simm.s32 @!p1 $0x0  }
0x14: {  	s2 =	sld [smem:$0x3F85];
	s0 =	simm.s32 @p1 $0x1  }
0x15: {  	[smem:$0x3FA2] =	sst s0;
	s0 =	simm.s32 @!p2 $0x0  }
0x16: {  	s3 =	sld [smem:$0x3FDB];
	s0 =	simm.s32 @p2 $0x1  }
0x17: {  	s4 =	simm.s32 $0x1BF5;
	[smem:$0x3FA4] =	sst s0  }
0x18: {  	s0 =	sld [smem:$0x3F87];
	_ =	swait.ge [sflag:s4], $0x0  }
0x19: {  	s7 =	sld [smem:$0x3F88]  }
0x1a: {  	s8 =	sadd.s32 $0xFFFFE003, lr  }
0x1b: {  	s9 =	sadd.s32 $0xFFFFFEF7, lr;
	s5 =	simm.s32 $0xFFFFFFFF;
	p2 =	slt.u32 s8, $0xFFFFF086  }
0x1c: {  	p1 =	slt.u32 s9, $0xF7A;
	s5 =	simm.s32 @!p2 $0x0  }
0x1d: {  	s5 =	simm.s32 @p1 $0x1;
	p0 =	seq.s32 s7, s2  }
0x1e: {  	s7 =	smul.u32 @!p0 $0xF7A, s2;
	p2 =	seq.s32 @!p0 s5, $0x0  }
0x1f: {  	s9 =	smul.u32 $0xF7A, s1;
	s8 =	simm.s32 @!p0 $0x1BF5;
	p2 =	por !p2, p0  }
0x20: {  	[sflag:s8] =	ssyncset.s32 @!p0 $0xFFFFF086;
	s6 =	sadd.s32 @!p0 s3, s7;
	s7 =	simm.s32 @!p0 $0x108  }
0x21: {  	s3 =	sadd.s32 s3, s9;
	s6 =	sadd.s32 @!p0 $0x88, s6;
	s7 =	simm.s32 @p2 $0x1082  }
0x22: {  	[simem:s7], [sflag:s8] =	dma.local @!p0 [hbm:s6], $0xF7A  }
0x23: {  	s9 =	sor.u32 $0xD0000000, s2;
	s6 =	simm.s32 $0x108;
	_ =	swait.ge @!p0 [sflag:s8], $0x0  }
0x24: {  	s3 =	sadd.s32 $0x88, s3;
	s6 =	simm.s32 @!p1 $0x1082;
	[sflag:s4] =	ssyncset.s32 $0xFFFFF086  }
0x25: {  	[simem:s6], [sflag:s4] =	dma.local [hbm:s3], $0xF7A  }
0x26: {  	[smem:$0x3F88] =	sst s1;
	(tag) =	ssettag s2;
	_ =	strace s9  }
0x27: {  	s1 =	sld [smem:$0x3F98]  }
0x28: {  	s2 =	sld [smem:$0x3F99]  }
0x29: {  	s4 =	sld [smem:$0x3F9B]  }
0x2a: {  	p0 =	seq.s32 s5, $0x0;
	s5 =	sld [smem:$0x3F9C]  }
0x2b: {  	s6 =	sld [smem:$0x3F9D]  }
0x2c: {  	s7 =	sld [smem:$0x3F9E]  }
0x2d: {  	s3 =	simm.s32 $0x108;
	s8 =	sld [smem:$0x3F9F]  }
0x2e: {  	s3 =	simm.s32 @!p0 $0x1082;
	s9 =	sld [smem:$0x3FA0]  }
0x2f: {  	lr =	sadd.s32 s0, s3;
	s0 =	sld [smem:$0x3F97]  }
0x30: {  	s3 =	sld [smem:$0x3F9A]  }
0x31: {  	[smem:$0x3FA3] =	sst s10  }
0x32: {  	s10 =	sld [smem:$0x3FA1];
	_ =	sdelay $0x3  }
0x33: {  	p0 =	seq.s32 s10, $0x1;
	s10 =	sld [smem:$0x3FA3];
	_ =	sdelay $0x3  }
0x34: {  	[smem:$0x3FA3] =	sst s10  }
0x35: {  	s10 =	sld [smem:$0x3FA2];
	_ =	sdelay $0x3  }
0x36: {  	p1 =	seq.s32 s10, $0x1;
	s10 =	sld [smem:$0x3FA3];
	_ =	sdelay $0x3  }
0x37: {  	[smem:$0x3FA3] =	sst s10  }
0x38: {  	s10 =	sld [smem:$0x3FA4]  }
0x39: {  	_ = 	snop;
	(pc) =	sbr.ind lr, $3  }
0x3a: {  	_ = 	snop  }
0x3b: {  	_ = 	snop  }
0x3c: {  	p2 =	seq.s32 s10, $0x1;
	s10 =	sld [smem:$0x3FA3]  }
0x3d: {  	_ =	shalt  }
0x3e: {  	_ =	shalt  }
0x3f: {  	_ =	shalt  }
0x40: {  	_ =	shalt  }
0x41: {  	_ =	shalt  }
0x42: {  	_ =	shalt  }
0x43: {  	_ =	shalt  }
0x44: {  	_ =	shalt  }
0x45: {  	_ =	shalt  }
0x46: {  	_ =	shalt  }
0x47: {  	_ =	shalt  }
0x48: {  	_ =	shalt  }
0x49: {  	_ =	shalt  }
0x4a: {  	_ =	shalt  }
0x4b: {  	_ =	shalt  }
0x4c: {  	_ =	shalt  }
0x4d: {  	_ =	shalt  }
0x4e: {  	_ =	shalt  }
0x4f: {  	_ =	shalt  }
0x50: {  	_ =	shalt  }
0x51: {  	_ =	shalt  }
0x52: {  	_ =	shalt  }
0x53: {  	_ =	shalt  }
0x54: {  	_ =	shalt  }
0x55: {  	_ =	shalt  }
0x56: {  	_ =	shalt  }
0x57: {  	_ =	shalt  }
0x58: {  	_ =	shalt  }
0x59: {  	_ =	shalt  }
0x5a: {  	_ =	shalt  }
0x5b: {  	_ =	shalt  }
0x5c: {  	_ =	shalt  }
0x5d: {  	_ =	shalt  }
0x5e: {  	_ =	shalt  }
0x5f: {  	_ =	shalt  }
0x60: {  	_ =	shalt  }
0x61: {  	_ =	shalt  }
0x62: {  	_ =	shalt  }
0x63: {  	_ =	shalt  }
0x64: {  	_ =	shalt  }
0x65: {  	_ =	shalt  }
0x66: {  	_ =	shalt  }
0x67: {  	_ =	shalt  }
0x68: {  	_ =	shalt  }
0x69: {  	_ =	shalt  }
0x6a: {  	_ =	shalt  }
0x6b: {  	_ =	shalt  }
0x6c: {  	_ =	shalt  }
0x6d: {  	_ =	shalt  }
0x6e: {  	_ =	shalt  }
0x6f: {  	_ =	shalt  }
0x70: {  	_ =	shalt  }
0x71: {  	_ =	shalt  }
0x72: {  	_ =	shalt  }
0x73: {  	_ =	shalt  }
0x74: {  	_ =	shalt  }
0x75: {  	_ =	shalt  }
0x76: {  	_ =	shalt  }
0x77: {  	_ =	shalt  }
0x78: {  	_ =	shalt  }
0x79: {  	_ =	shalt  }
0x7a: {  	_ =	shalt  }
0x7b: {  	_ =	shalt  }
0x7c: {  	_ =	shalt  }
0x7d: {  	_ =	shalt  }
0x7e: {  	_ =	shalt  }
0x7f: {  	_ =	shalt  }
0x80: {  	_ =	shalt  }
0x81: {  	_ =	shalt  }
0x82: {  	_ =	shalt  }
0x83: {  	_ =	shalt  }
0x84: {  	_ =	shalt  }
0x85: {  	_ =	shalt  }
0x86: {  	_ =	shalt  }
0x87: {  	_ =	shalt  }
.Lfunc_end0:
.L_simem_size_0:
called_computation.1_lowered:
.L_overlay_start_0:
0x88: {  	s2 =	sld [smem:$0x3FD9]  }
0x89: {  	s3 =	sld [smem:$0x3FFE];
	_ =	sdelay $0x1  }
0x8a: {  	s1 =	srdreg.scid  }
0x8b: {  	s0 =	sand.u32 $0x1, s1  }
0x8c: {  	s16 =	sshll.u32 s0, $0xA;
	s2 =	sadd.s32 s3, s2  }
0x8d: {  	s2 =	sadd.s32 s2, s16  }
0x8e: {  	[smem:$0x3FAF] =	sst s2  }
0x8f: {  	_ = 	snop  }
0x90: {  	(tm) =	ssettm $0x1  }
0x91: {  	s17 =	sld [smem:$0x3FFB];
	_ =	sdelay $0x3  }
0x92: {  	_ =	strace s17  }
0x93: {  	s2 =	sld [smem:$0x3FFC];
	_ =	sdelay $0x3  }
0x94: {  	_ =	strace s2  }
0x95: {  	s2 =	sld [smem:$0x3FFD];
	_ =	sdelay $0x3  }
0x96: {  	_ =	strace s2  }
0x97: {  	_ =	strace $0x8FFFFFFF  }
0x98: {  	s18 =	sld [smem:$0x3FDB];
	_ =	sdelay $0x1  }
0x99: {  	s19 =	simm.s32 $_scs_section_size  }
0x9a: {  	s4 =	simm.s32 $_size__tile_overlayer_lowered;
	s5 =	simm.s32 $_tile_overlayer_lowered  }
0x9b: {  	s22 =	simm.s32 $0x1BFF;
	s21 =	sshll.u32 s5, $0x1;
	s2 =	sadd.s32 s19, s18  }
0x9c: {  	s6 =	simm.s32 $0x0;
	s20 =	sshll.u32 s4, $0x1;
	s4 =	sadd.s32 s21, s2  }
0x9d: {  	[timem:s6], [sflag:s22] =	dma.local [hbm:s4], s20  }
0x9e: {  	_ =	swait.ge [sflag:s22], s20  }
0x9f: {  	s3 =	ssub.s32 $0x0, s20;
	[sflag:s22] =	ssyncset.done $0x0  }
0xa0: {  	[sflag:s22] =	ssyncadd.s32 s3;
	_ =	sdelay $0x1  }
0xa1: {  	s23 =	simm.s32 $0x1B8B  }
0xa2: {  	_ =	swait.ge [sflag:s23], $0x1  }
0xa3: {  	[sflag:s23] =	ssyncset.done $0x0  }
0xa4: {  	s25 =	simm.s32 $0x1B8E;
	s24 =	sld [smem:$0x3FFE];
	[sflag:s23] =	ssyncadd.s32 $0xFFFFFFFF  }
0xa5: {  	s26 =	simm.s32 $execute0_lowered;
	[smem:$0x3FD2] =	sst s25  }
0xa6: {  	s4 =	sshll.u32 s26, $0x1;
	_ =	strace $0x80000049;
	[dreg:$0x1] =	wrdreg $0xFFFFFFFF  }
0xa7: {  	s28 =	simm.s32 $_size_execute0_lowered;
	s2 =	sadd.s32 s2, s4;
	[dreg:$0x0] =	wrdreg $0x0  }
0xa8: {  	s4 =	sshll.u32 s28, $0x1;
	[dreg:$0x2] =	wrdreg s2  }
0xa9: {  	[dreg:$0x3] =	wrdreg s4  }
0xaa: {  	[dreg:$0x4] =	wrdreg $0xC0  }
0xab: {  	_ =	task [dreg:s6], $0x5FFFF  }
0xac: {  	[dreg:$0x1] =	wrdreg $0xFFFFFFFF  }
0xad: {  	[dreg:$0x0] =	wrdreg $0x60  }
0xae: {  	[dreg:$0x2] =	wrdreg s24  }
0xaf: {  	[dreg:$0x3] =	wrdreg $0x90000  }
0xb0: {  	[dreg:$0x4] =	wrdreg $0x9  }
0xb1: {  	_ =	task.clear_ibuf [dreg:s6], $0x5FFFF;
	_ =	strace $0x90000049  }
0xb2: {  	s29 =	simm.s32 $0x9;
	_ =	strace $0x8000004B  }
0xb3: {  	_ =	swait.ge [sflag:s29], $0x1  }
0xb4: {  	[sflag:s29] =	ssyncadd.s32 $0xFFFFFFFF  }
0xb5: {  	_ =	strace $0x9000004B  }
0xb6: {  	_ =	sfence  }
0xb7: {  	s30 =	sld [smem:$0x0];
	_ =	sdelay $0x2  }
0xb8: {  	s31 =	sshll.u32 s1, $0xD;
	s1 =	sshrl.u32 s1, $0x2  }
0xb9: {  	s3 =	sand.u32 $0x4000, s31;
	s1 =	sadd.s32 s1, s30  }
0xba: {  	s0 =	sor.u32 s3, s0;
	s1 =	sshll.u32 s1, $0x11  }
0xbb: {  	s0 =	sor.u32 s1, s0  }
0xbc: {  	s0 =	sadd.s32 $0x8F2B, s0  }
0xbd: {  	[sflag:s0] =	ssyncadd.remote.s32 $0x1  }
0xbe: {  	_ =	sfence.sel $0xFFFF  }
0xbf: {  	[dreg:$0x0] =	wrdreg $0xFFFFFFFF;
	(pc) =	sbr.abs _section_cstart, $3  }
0xc0: {  	[dreg:$0x1] =	wrdreg $0xFFFFFFFF  }
0xc1: {  	_ =	task.clear_ibuf [dreg:s6], $0x2FFFF;
	_ =	strace $0x9FFFFFFF  }
0xc2: {  	(tm) =	ssettm $0x7FFFFFFF  }
0xc3: {  	_ =	shalt  }
tec
execute0_lowered:
.L_overlay_start_1:
0x0: {  	(tag) =	ssettag $0x1  }
0x1: {  	s1 =	srdreg.scid  }
0x2: {  	s0 =	stileid.u32;
	s9 =	rddreg [dreg:$0x0]  }
0x3: {  	s2 =	rddreg [dreg:$0x1];
	s3 =	simm.s32 $0x0;
	s13 =	simm.s32 $0x6B200  }
0x4: {  	s15 =	simm.s32 $0x5000;
	s16 =	simm.s32 $0x1;
	s17 =	simm.s32 $0x0  }
0x5: {  	s6 =	sand.u32 $0x1, s1;
	s29 =	sshll.u32 s0, $0x1;
	s1 =	rddreg [dreg:$0x2]  }
0x6: {  	[smem:$0x7FF] =	sst s3;
	s7 =	smul.u32 $0x4F000, s0;
	s30 =	sshll.u32 s0, $0x6  }
0x7: {  	s14 =	smul.u32 $0x2780, s0;
	s4 =	sor.u32 s6, s29;
	_ =	strace $0x8000004A  }
0x8: {  	s8 =	ssub.s32 $0x2, s6;
	p0 =	seq.s32 s6, $0x1;
	s6 =	sor.u32 $0x1C02, s30  }
0x9: {  	s5 =	smul.u32 $0x500, s4;
	s4 =	sadd.s32 $0x1C800, s9;
	s11 =	sshrl.u32 s8, $0x1  }
0xa: {  	s7 =	sshrl.u32 s7, $0x2;
	s13 =	simm.s32 @!p0 $0x43A00;
	s11 =	ssub.s32 s8, s11  }
0xb: {  	s12 =	sadd.s32 s7, s2;
	s31 =	sadd.s32 s13, s9;
	s13 =	simm.s32 $0x2800  }
0xc: {  	s10 =	sadd.s32 s5, s9;
	s5 =	sadd.s32 $0x1A000, s9;
	s9 =	smax.u32 s11, $0x1  }
0xd: {  	s11 =	sshrl.u32 s12, $0x3;
	s12 =	simm.s32 $0x2;
	s7 =	sadd.s32 $0x6000, s10  }
0xe: {  	s8 =	sadd.s32 $0x10000, s10;
	s10 =	sadd.s32 s31, s14;
	s14 =	simm.s32 $0x80  }
.LBB2_1:
0xf: {  	[spmem:s11], [sflag:s6] =	dma.local [hbm:s5], $0x2780  }
0x10: {  	_ =	swait.ge [sflag:s12], $0x2780  }
0x11: {  	[sflag:s12] =	ssyncset.done $0x0  }
0x12: {  	[sflag:s12] =	ssyncadd.s32 $0xFFFFD880  }
0x13: {  	[tilespmem:s3], [sflag:$0x2] =	stream.linear.gather [hbm4b:s7+s3], $0x2780, $0x38;
	[tilespmem:$0x1CC00] =	vst v63  }
0x14: {  	_ =	swait.ge [sflag:s12], $0x2780  }
0x15: {  	[sflag:s12] =	ssyncset.done $0x0  }
0x16: {  	[sflag:s12] =	ssyncadd.s32 $0xFFFFD880  }
0x17: {  	[tilespmem:s13], [sflag:$0x2] =	stream.linear.gather [hbm4b:s8+s3], $0x2780, $0x38;
	[tilespmem:$0x1CC00] =	vst v63  }
0x18: {  	_ =	swait.ge [sflag:s12], $0x2780  }
0x19: {  	[sflag:s12] =	ssyncset.done $0x0  }
0x1a: {  	[sflag:s12] =	ssyncadd.s32 $0xFFFFD880  }
0x1b: {  	s18 =	simm.s32 $0x0;
	[bflag:$0x0] =	sbarrier.arrive $0xFFFF  }
0x1c: {  	[tilespmem:s15], [sflag:$0x1] =	stream.indirect.gather [hbm4b:s4+s14], $0x80, s18, s14, $0xb8;
	[tilespmem:$0x1CC00] =	vst v63  }
0x1d: {  	_ =	swait.ge [sflag:s16], $0x4000  }
0x1e: {  	[sflag:s16] =	ssyncset.done $0x0  }
0x1f: {  	s31 =	simm.s32 $0x2800;
	[sflag:s16] =	ssyncadd.s32 $0xFFFFC000  }
0x20: {  	[spmem:s2] =	stream.indirect.scatter.add.f32 [tilespmem:s15], [sflag:$0x2], $0x80, s31, s14, $0xb8;
	[tilespmem:$0x1CC00] =	vst v63  }
0x21: {  	_ =	swait.ge [sflag:s12], $0x4000  }
0x22: {  	s19 =	simm.s32 $0x400;
	s18 =	simm.s32 $0x200;
	[sflag:s12] =	ssyncset.done $0x0  }
.LBB2_2:
0x23: {  	s20 =	sshra.s32 s18, $0x2  }
0x24: {  	[sflag:s12] =	ssyncadd.s32 $0xFFFFC000;
	s18 =	smov.u32 s19;
	s21 =	sadd.s32 $0x200, s19  }
0x25: {  	[tilespmem:s15], [sflag:$0x1] =	stream.indirect.gather [hbm4b:s4+s14], $0x80, s20, s14, $0xb8;
	[tilespmem:$0x1CC00] =	vst v63  }
0x26: {  	p0 =	sne.s32 s19, $0x9C00;
	_ =	swait.ge [sflag:s16], $0x4000  }
.Ltmp0:
0x27: {  	[sflag:s16] =	ssyncset.done $0x0;
	(pc) =	sbr.rel @p0 .LBB2_2-.Ltmp0, $4  }
0x28: {  	s19 =	sadd.s32 $0x2800, s20;
	[sflag:s16] =	ssyncadd.s32 $0xFFFFC000  }
0x29: {  	[spmem:s2] =	stream.indirect.scatter.add.f32 [tilespmem:s15], [sflag:$0x2], $0x80, s19, s14, $0xb8;
	[tilespmem:$0x1CC00] =	vst v63  }
0x2a: {  	_ =	swait.ge [sflag:s12], $0x4000  }
0x2b: {  	s19 =	smov.u32 s21;
	[sflag:s12] =	ssyncset.done $0x0  }
0x2c: {  	s18 =	sshra.s32 s18, $0x2;
	[sflag:s12] =	ssyncadd.s32 $0xFFFFC000  }
0x2d: {  	[tilespmem:s15], [sflag:$0x1] =	stream.indirect.gather [hbm4b:s4+s14], $0x80, s18, s14, $0xb8;
	[tilespmem:$0x1CC00] =	vst v63  }
0x2e: {  	_ =	swait.ge [sflag:s16], $0x4000  }
0x2f: {  	[sflag:s16] =	ssyncset.done $0x0  }
0x30: {  	s18 =	sadd.s32 $0x2800, s18;
	[sflag:s16] =	ssyncadd.s32 $0xFFFFC000  }
0x31: {  	[spmem:s2] =	stream.indirect.scatter.add.f32 [tilespmem:s15], [sflag:$0x2], $0x80, s18, s14, $0xb8;
	[tilespmem:$0x1CC00] =	vst v63  }
0x32: {  	_ =	swait.ge [sflag:s12], $0x4000  }
0x33: {  	s17 =	sadd.s32 $0x1, s17;
	[sflag:s12] =	ssyncset.done $0x0  }
0x34: {  	p0 =	sne.s32 s17, s9;
	[sflag:s12] =	ssyncadd.s32 $0xFFFFC000  }
.Ltmp1:
0x35: {  	[bflag:$0x0] =	sbarrier.arrive $0xFFFF;
	(pc) =	sbr.rel @p0 .LBB2_1-.Ltmp1, $4  }
0x36: {  	[hbm:s10], [sflag:s6] =	dma.local [spmem:s11], $0x2780  }
0x37: {  	_ =	swait.ge [sflag:s12], $0x2780  }
0x38: {  	[sflag:s12] =	ssyncset.done $0x0  }
0x39: {  	[sflag:s12] =	ssyncadd.s32 $0xFFFFD880  }
0x3a: {  	_ =	sfence.sel $0x180000  }
0x3b: {  	[bflag:$0x0] =	sbarrier.arrive $0xFFFF  }
0x3c: {  	p0 =	sne.s32 s0, $0x0;
	_ =	strace $0x9000004A  }
0x3d: {  	s0 =	sadd.s32 @!p0 $0x100000, s1;
	[bflag:$0x2] =	sbarrier.arrive $0xFFFF  }
0x3e: {  	[sflag:s0] =	ssyncadd.tile.s32 @!p0 $0x1;
	_ =	shalt  }
.Lfunc_end2:
_tile_overlayer_lowered:
.L_overlay_start_2:
0x3f: {  	(tag) =	ssettag $0x2  }
0x40: {  	s0 =	rddreg [dreg:$0x0];
	s2 =	stileid.u32  }
0x41: {  	s1 =	rddreg [dreg:$0x1];
	p0 =	sne.s32 s2, $0x0  }
0x42: {  	s3 =	rddreg [dreg:$0x2];
	[bflag:$0x3] =	sbarrier.arrive $0xFFFF;
	s2 =	simm.s32 @!p0 $0x1C02  }
0x43: {  	[timem:s3], [sflag:s2] =	dma.local @!p0 [hbm:s0], s1  }
0x44: {  	s0 =	simm.s32 @!p0 $0x2  }
0x45: {  	_ =	swait.ge @!p0 [sflag:s0], s1  }
0x46: {  	s1 =	ssub.s32 @!p0 $0x0, s1;
	[sflag:s0] =	ssyncset.done @!p0 $0x0  }
0x47: {  	[sflag:s0] =	ssyncadd.s32 @!p0 s1  }
0x48: {  	[bflag:$0x3] =	sbarrier.arrive $0xFFFF  }
0x49: {  	_ =	shalt  }

// kernel: kernel.17.cloned.1.call-start
scs
__scs_entry_jumppad:
0x0: {  	(pc) =	sbr.rel $0x88, $3  }
0x1: {  	(tag) =	ssettag $0x0;
	lr =	simm.s32 $0x1  }
0x2: {  	[smem:$0x3F88] =	sst lr;
	_ =	strace $0xD0000000  }
0x3: {  	_ = 	snop  }
0x4: {  	_ = 	snop  }
0x5: {  	_ = 	snop  }
0x6: {  	_ = 	snop  }
0x7: {  	_ = 	snop  }
__scs_overlays_trampoline_lowered:
0x8: {  	[smem:$0x3F97] =	sst s0  }
0x9: {  	[smem:$0x3F98] =	sst s1  }
0xa: {  	[smem:$0x3F99] =	sst s2  }
0xb: {  	[smem:$0x3F9A] =	sst s3  }
0xc: {  	[smem:$0x3F9B] =	sst s4  }
0xd: {  	[smem:$0x3F9C] =	sst s5  }
0xe: {  	[smem:$0x3F9D] =	sst s6  }
0xf: {  	[smem:$0x3F9E] =	sst s7  }
0x10: {  	[smem:$0x3F9F] =	sst s8  }
0x11: {  	[smem:$0x3FA0] =	sst s9;
	s0 =	simm.s32 @!p0 $0x0  }
0x12: {  	s1 =	sld [smem:$0x3F86];
	s0 =	simm.s32 @p0 $0x1  }
0x13: {  	[smem:$0x3FA1] =	sst s0;
	s0 =	simm.s32 @!p1 $0x0  }
0x14: {  	s2 =	sld [smem:$0x3F85];
	s0 =	simm.s32 @p1 $0x1  }
0x15: {  	[smem:$0x3FA2] =	sst s0;
	s0 =	simm.s32 @!p2 $0x0  }
0x16: {  	s3 =	sld [smem:$0x3FDB];
	s0 =	simm.s32 @p2 $0x1  }
0x17: {  	s4 =	simm.s32 $0x1BF5;
	[smem:$0x3FA4] =	sst s0  }
0x18: {  	s0 =	sld [smem:$0x3F87];
	_ =	swait.ge [sflag:s4], $0x0  }
0x19: {  	s7 =	sld [smem:$0x3F88]  }
0x1a: {  	s8 =	sadd.s32 $0xFFFFE003, lr  }
0x1b: {  	s9 =	sadd.s32 $0xFFFFFEF7, lr;
	s5 =	simm.s32 $0xFFFFFFFF;
	p2 =	slt.u32 s8, $0xFFFFF086  }
0x1c: {  	p1 =	slt.u32 s9, $0xF7A;
	s5 =	simm.s32 @!p2 $0x0  }
0x1d: {  	s5 =	simm.s32 @p1 $0x1;
	p0 =	seq.s32 s7, s2  }
0x1e: {  	s7 =	smul.u32 @!p0 $0xF7A, s2;
	p2 =	seq.s32 @!p0 s5, $0x0  }
0x1f: {  	s9 =	smul.u32 $0xF7A, s1;
	s8 =	simm.s32 @!p0 $0x1BF5;
	p2 =	por !p2, p0  }
0x20: {  	[sflag:s8] =	ssyncset.s32 @!p0 $0xFFFFF086;
	s6 =	sadd.s32 @!p0 s3, s7;
	s7 =	simm.s32 @!p0 $0x108  }
0x21: {  	s3 =	sadd.s32 s3, s9;
	s6 =	sadd.s32 @!p0 $0x88, s6;
	s7 =	simm.s32 @p2 $0x1082  }
0x22: {  	[simem:s7], [sflag:s8] =	dma.local @!p0 [hbm:s6], $0xF7A  }
0x23: {  	s9 =	sor.u32 $0xD0000000, s2;
	s6 =	simm.s32 $0x108;
	_ =	swait.ge @!p0 [sflag:s8], $0x0  }
0x24: {  	s3 =	sadd.s32 $0x88, s3;
	s6 =	simm.s32 @!p1 $0x1082;
	[sflag:s4] =	ssyncset.s32 $0xFFFFF086  }
0x25: {  	[simem:s6], [sflag:s4] =	dma.local [hbm:s3], $0xF7A  }
0x26: {  	[smem:$0x3F88] =	sst s1;
	(tag) =	ssettag s2;
	_ =	strace s9  }
0x27: {  	s1 =	sld [smem:$0x3F98]  }
0x28: {  	s2 =	sld [smem:$0x3F99]  }
0x29: {  	s4 =	sld [smem:$0x3F9B]  }
0x2a: {  	p0 =	seq.s32 s5, $0x0;
	s5 =	sld [smem:$0x3F9C]  }
0x2b: {  	s6 =	sld [smem:$0x3F9D]  }
0x2c: {  	s7 =	sld [smem:$0x3F9E]  }
0x2d: {  	s3 =	simm.s32 $0x108;
	s8 =	sld [smem:$0x3F9F]  }
0x2e: {  	s3 =	simm.s32 @!p0 $0x1082;
	s9 =	sld [smem:$0x3FA0]  }
0x2f: {  	lr =	sadd.s32 s0, s3;
	s0 =	sld [smem:$0x3F97]  }
0x30: {  	s3 =	sld [smem:$0x3F9A]  }
0x31: {  	[smem:$0x3FA3] =	sst s10  }
0x32: {  	s10 =	sld [smem:$0x3FA1];
	_ =	sdelay $0x3  }
0x33: {  	p0 =	seq.s32 s10, $0x1;
	s10 =	sld [smem:$0x3FA3];
	_ =	sdelay $0x3  }
0x34: {  	[smem:$0x3FA3] =	sst s10  }
0x35: {  	s10 =	sld [smem:$0x3FA2];
	_ =	sdelay $0x3  }
0x36: {  	p1 =	seq.s32 s10, $0x1;
	s10 =	sld [smem:$0x3FA3];
	_ =	sdelay $0x3  }
0x37: {  	[smem:$0x3FA3] =	sst s10  }
0x38: {  	s10 =	sld [smem:$0x3FA4]  }
0x39: {  	_ = 	snop;
	(pc) =	sbr.ind lr, $3  }
0x3a: {  	_ = 	snop  }
0x3b: {  	_ = 	snop  }
0x3c: {  	p2 =	seq.s32 s10, $0x1;
	s10 =	sld [smem:$0x3FA3]  }
0x3d: {  	_ =	shalt  }
0x3e: {  	_ =	shalt  }
0x3f: {  	_ =	shalt  }
0x40: {  	_ =	shalt  }
0x41: {  	_ =	shalt  }
0x42: {  	_ =	shalt  }
0x43: {  	_ =	shalt  }
0x44: {  	_ =	shalt  }
0x45: {  	_ =	shalt  }
0x46: {  	_ =	shalt  }
0x47: {  	_ =	shalt  }
0x48: {  	_ =	shalt  }
0x49: {  	_ =	shalt  }
0x4a: {  	_ =	shalt  }
0x4b: {  	_ =	shalt  }
0x4c: {  	_ =	shalt  }
0x4d: {  	_ =	shalt  }
0x4e: {  	_ =	shalt  }
0x4f: {  	_ =	shalt  }
0x50: {  	_ =	shalt  }
0x51: {  	_ =	shalt  }
0x52: {  	_ =	shalt  }
0x53: {  	_ =	shalt  }
0x54: {  	_ =	shalt  }
0x55: {  	_ =	shalt  }
0x56: {  	_ =	shalt  }
0x57: {  	_ =	shalt  }
0x58: {  	_ =	shalt  }
0x59: {  	_ =	shalt  }
0x5a: {  	_ =	shalt  }
0x5b: {  	_ =	shalt  }
0x5c: {  	_ =	shalt  }
0x5d: {  	_ =	shalt  }
0x5e: {  	_ =	shalt  }
0x5f: {  	_ =	shalt  }
0x60: {  	_ =	shalt  }
0x61: {  	_ =	shalt  }
0x62: {  	_ =	shalt  }
0x63: {  	_ =	shalt  }
0x64: {  	_ =	shalt  }
0x65: {  	_ =	shalt  }
0x66: {  	_ =	shalt  }
0x67: {  	_ =	shalt  }
0x68: {  	_ =	shalt  }
0x69: {  	_ =	shalt  }
0x6a: {  	_ =	shalt  }
0x6b: {  	_ =	shalt  }
0x6c: {  	_ =	shalt  }
0x6d: {  	_ =	shalt  }
0x6e: {  	_ =	shalt  }
0x6f: {  	_ =	shalt  }
0x70: {  	_ =	shalt  }
0x71: {  	_ =	shalt  }
0x72: {  	_ =	shalt  }
0x73: {  	_ =	shalt  }
0x74: {  	_ =	shalt  }
0x75: {  	_ =	shalt  }
0x76: {  	_ =	shalt  }
0x77: {  	_ =	shalt  }
0x78: {  	_ =	shalt  }
0x79: {  	_ =	shalt  }
0x7a: {  	_ =	shalt  }
0x7b: {  	_ =	shalt  }
0x7c: {  	_ =	shalt  }
0x7d: {  	_ =	shalt  }
0x7e: {  	_ =	shalt  }
0x7f: {  	_ =	shalt  }
0x80: {  	_ =	shalt  }
0x81: {  	_ =	shalt  }
0x82: {  	_ =	shalt  }
0x83: {  	_ =	shalt  }
0x84: {  	_ =	shalt  }
0x85: {  	_ =	shalt  }
0x86: {  	_ =	shalt  }
0x87: {  	_ =	shalt  }
.Lfunc_end0:
.L_simem_size_0:
called_computation.2_lowered:
.L_overlay_start_0:
0x88: {  	s2 =	sld [smem:$0x3FD9]  }
0x89: {  	s3 =	sld [smem:$0x3FFE];
	_ =	sdelay $0x1  }
0x8a: {  	s1 =	srdreg.scid  }
0x8b: {  	s0 =	sand.u32 $0x1, s1  }
0x8c: {  	s16 =	sshll.u32 s0, $0xA;
	s2 =	sadd.s32 s3, s2  }
0x8d: {  	s2 =	sadd.s32 s2, s16  }
0x8e: {  	[smem:$0x3FAF] =	sst s2  }
0x8f: {  	_ = 	snop  }
0x90: {  	(tm) =	ssettm $0x1  }
0x91: {  	s17 =	sld [smem:$0x3FFB];
	_ =	sdelay $0x3  }
0x92: {  	_ =	strace s17  }
0x93: {  	s2 =	sld [smem:$0x3FFC];
	_ =	sdelay $0x3  }
0x94: {  	_ =	strace s2  }
0x95: {  	s2 =	sld [smem:$0x3FFD];
	_ =	sdelay $0x3  }
0x96: {  	_ =	strace s2  }
0x97: {  	_ =	strace $0x8FFFFFFF  }
0x98: {  	s18 =	sld [smem:$0x3FDB];
	_ =	sdelay $0x1  }
0x99: {  	s19 =	simm.s32 $_scs_section_size  }
0x9a: {  	s4 =	simm.s32 $_size__tile_overlayer_lowered;
	s5 =	simm.s32 $_tile_overlayer_lowered  }
0x9b: {  	s22 =	simm.s32 $0x1BFF;
	s21 =	sshll.u32 s5, $0x1;
	s2 =	sadd.s32 s19, s18  }
0x9c: {  	s6 =	simm.s32 $0x0;
	s20 =	sshll.u32 s4, $0x1;
	s4 =	sadd.s32 s21, s2  }
0x9d: {  	[timem:s6], [sflag:s22] =	dma.local [hbm:s4], s20  }
0x9e: {  	_ =	swait.ge [sflag:s22], s20  }
0x9f: {  	s3 =	ssub.s32 $0x0, s20;
	[sflag:s22] =	ssyncset.done $0x0  }
0xa0: {  	[sflag:s22] =	ssyncadd.s32 s3;
	_ =	sdelay $0x1  }
0xa1: {  	s23 =	simm.s32 $0x1B8B  }
0xa2: {  	_ =	swait.ge [sflag:s23], $0x1  }
0xa3: {  	[sflag:s23] =	ssyncset.done $0x0  }
0xa4: {  	s25 =	simm.s32 $0x1B8E;
	s24 =	sld [smem:$0x3FFE];
	[sflag:s23] =	ssyncadd.s32 $0xFFFFFFFF  }
0xa5: {  	s26 =	simm.s32 $execute0_lowered;
	[smem:$0x3FD2] =	sst s25  }
0xa6: {  	s4 =	sshll.u32 s26, $0x1;
	_ =	strace $0x8000004C;
	[dreg:$0x1] =	wrdreg $0xFFFFFFFF  }
0xa7: {  	s28 =	simm.s32 $_size_execute0_lowered;
	s2 =	sadd.s32 s2, s4;
	[dreg:$0x0] =	wrdreg $0x0  }
0xa8: {  	s4 =	sshll.u32 s28, $0x1;
	[dreg:$0x2] =	wrdreg s2  }
0xa9: {  	[dreg:$0x3] =	wrdreg s4  }
0xaa: {  	[dreg:$0x4] =	wrdreg $0xC0  }
0xab: {  	_ =	task [dreg:s6], $0x5FFFF  }
0xac: {  	[dreg:$0x1] =	wrdreg $0xFFFFFFFF  }
0xad: {  	[dreg:$0x0] =	wrdreg $0x60  }
0xae: {  	[dreg:$0x2] =	wrdreg s24  }
0xaf: {  	[dreg:$0x3] =	wrdreg $0x90000  }
0xb0: {  	[dreg:$0x4] =	wrdreg $0x9  }
0xb1: {  	_ =	task.clear_ibuf [dreg:s6], $0x5FFFF;
	_ =	strace $0x9000004C  }
0xb2: {  	s29 =	simm.s32 $0x9;
	_ =	strace $0x8000004E  }
0xb3: {  	_ =	swait.ge [sflag:s29], $0x1  }
0xb4: {  	[sflag:s29] =	ssyncadd.s32 $0xFFFFFFFF  }
0xb5: {  	_ =	strace $0x9000004E  }
0xb6: {  	_ =	sfence  }
0xb7: {  	s30 =	sld [smem:$0x0];
	_ =	sdelay $0x2  }
0xb8: {  	s31 =	sshll.u32 s1, $0xD;
	s1 =	sshrl.u32 s1, $0x2  }
0xb9: {  	s3 =	sand.u32 $0x4000, s31;
	s1 =	sadd.s32 s1, s30  }
0xba: {  	s0 =	sor.u32 s3, s0;
	s1 =	sshll.u32 s1, $0x11  }
0xbb: {  	s0 =	sor.u32 s1, s0  }
0xbc: {  	s0 =	sadd.s32 $0x8F2B, s0  }
0xbd: {  	[sflag:s0] =	ssyncadd.remote.s32 $0x1  }
0xbe: {  	_ =	sfence.sel $0xFFFF  }
0xbf: {  	[dreg:$0x0] =	wrdreg $0xFFFFFFFF;
	(pc) =	sbr.abs _section_cstart, $3  }
0xc0: {  	[dreg:$0x1] =	wrdreg $0xFFFFFFFF  }
0xc1: {  	_ =	task.clear_ibuf [dreg:s6], $0x2FFFF;
	_ =	strace $0x9FFFFFFF  }
0xc2: {  	(tm) =	ssettm $0x7FFFFFFF  }
0xc3: {  	_ =	shalt  }
tec
execute0_lowered:
.L_overlay_start_1:
0x0: {  	(tag) =	ssettag $0x1  }
0x1: {  	s1 =	srdreg.scid  }
0x2: {  	s0 =	stileid.u32;
	s9 =	rddreg [dreg:$0x0]  }
0x3: {  	s2 =	rddreg [dreg:$0x1];
	s3 =	simm.s32 $0x0;
	s13 =	simm.s32 $0x6B200  }
0x4: {  	s15 =	simm.s32 $0x5000;
	s16 =	simm.s32 $0x1;
	s17 =	simm.s32 $0x0  }
0x5: {  	s6 =	sand.u32 $0x1, s1;
	s29 =	sshll.u32 s0, $0x1;
	s1 =	rddreg [dreg:$0x2]  }
0x6: {  	[smem:$0x7FF] =	sst s3;
	s7 =	smul.u32 $0x4F000, s0;
	s30 =	sshll.u32 s0, $0x6  }
0x7: {  	s14 =	smul.u32 $0x2780, s0;
	s4 =	sor.u32 s6, s29;
	_ =	strace $0x8000004D  }
0x8: {  	s8 =	ssub.s32 $0x2, s6;
	p0 =	seq.s32 s6, $0x1;
	s6 =	sor.u32 $0x1C02, s30  }
0x9: {  	s5 =	smul.u32 $0x500, s4;
	s4 =	sadd.s32 $0x1C800, s9;
	s11 =	sshrl.u32 s8, $0x1  }
0xa: {  	s7 =	sshrl.u32 s7, $0x2;
	s13 =	simm.s32 @!p0 $0x43A00;
	s11 =	ssub.s32 s8, s11  }
0xb: {  	s12 =	sadd.s32 s7, s2;
	s31 =	sadd.s32 s13, s9;
	s13 =	simm.s32 $0x2800  }
0xc: {  	s10 =	sadd.s32 s5, s9;
	s5 =	sadd.s32 $0x1A000, s9;
	s9 =	smax.u32 s11, $0x1  }
0xd: {  	s11 =	sshrl.u32 s12, $0x3;
	s12 =	simm.s32 $0x2;
	s7 =	sadd.s32 $0x6000, s10  }
0xe: {  	s8 =	sadd.s32 $0x10000, s10;
	s10 =	sadd.s32 s31, s14;
	s14 =	simm.s32 $0x80  }
.LBB2_1:
0xf: {  	[spmem:s11], [sflag:s6] =	dma.local [hbm:s5], $0x2780  }
0x10: {  	_ =	swait.ge [sflag:s12], $0x2780  }
0x11: {  	[sflag:s12] =	ssyncset.done $0x0  }
0x12: {  	[sflag:s12] =	ssyncadd.s32 $0xFFFFD880  }
0x13: {  	[tilespmem:s3], [sflag:$0x2] =	stream.linear.gather [hbm4b:s7+s3], $0x2780, $0x38;
	[tilespmem:$0x1CC00] =	vst v63  }
0x14: {  	_ =	swait.ge [sflag:s12], $0x2780  }
0x15: {  	[sflag:s12] =	ssyncset.done $0x0  }
0x16: {  	[sflag:s12] =	ssyncadd.s32 $0xFFFFD880  }
0x17: {  	[tilespmem:s13], [sflag:$0x2] =	stream.linear.gather [hbm4b:s8+s3], $0x2780, $0x38;
	[tilespmem:$0x1CC00] =	vst v63  }
0x18: {  	_ =	swait.ge [sflag:s12], $0x2780  }
0x19: {  	[sflag:s12] =	ssyncset.done $0x0  }
0x1a: {  	[sflag:s12] =	ssyncadd.s32 $0xFFFFD880  }
0x1b: {  	s18 =	simm.s32 $0x0;
	[bflag:$0x0] =	sbarrier.arrive $0xFFFF  }
0x1c: {  	[tilespmem:s15], [sflag:$0x1] =	stream.indirect.gather [hbm4b:s4+s14], $0x80, s18, s14, $0xb8;
	[tilespmem:$0x1CC00] =	vst v63  }
0x1d: {  	_ =	swait.ge [sflag:s16], $0x4000  }
0x1e: {  	[sflag:s16] =	ssyncset.done $0x0  }
0x1f: {  	s31 =	simm.s32 $0x2800;
	[sflag:s16] =	ssyncadd.s32 $0xFFFFC000  }
0x20: {  	[spmem:s2] =	stream.indirect.scatter.add.f32 [tilespmem:s15], [sflag:$0x2], $0x80, s31, s14, $0xb8;
	[tilespmem:$0x1CC00] =	vst v63  }
0x21: {  	_ =	swait.ge [sflag:s12], $0x4000  }
0x22: {  	s19 =	simm.s32 $0x400;
	s18 =	simm.s32 $0x200;
	[sflag:s12] =	ssyncset.done $0x0  }
.LBB2_2:
0x23: {  	s20 =	sshra.s32 s18, $0x2  }
0x24: {  	[sflag:s12] =	ssyncadd.s32 $0xFFFFC000;
	s18 =	smov.u32 s19;
	s21 =	sadd.s32 $0x200, s19  }
0x25: {  	[tilespmem:s15], [sflag:$0x1] =	stream.indirect.gather [hbm4b:s4+s14], $0x80, s20, s14, $0xb8;
	[tilespmem:$0x1CC00] =	vst v63  }
0x26: {  	p0 =	sne.s32 s19, $0x9C00;
	_ =	swait.ge [sflag:s16], $0x4000  }
.Ltmp0:
0x27: {  	[sflag:s16] =	ssyncset.done $0x0;
	(pc) =	sbr.rel @p0 .LBB2_2-.Ltmp0, $4  }
0x28: {  	s19 =	sadd.s32 $0x2800, s20;
	[sflag:s16] =	ssyncadd.s32 $0xFFFFC000  }
0x29: {  	[spmem:s2] =	stream.indirect.scatter.add.f32 [tilespmem:s15], [sflag:$0x2], $0x80, s19, s14, $0xb8;
	[tilespmem:$0x1CC00] =	vst v63  }
0x2a: {  	_ =	swait.ge [sflag:s12], $0x4000  }
0x2b: {  	s19 =	smov.u32 s21;
	[sflag:s12] =	ssyncset.done $0x0  }
0x2c: {  	s18 =	sshra.s32 s18, $0x2;
	[sflag:s12] =	ssyncadd.s32 $0xFFFFC000  }
0x2d: {  	[tilespmem:s15], [sflag:$0x1] =	stream.indirect.gather [hbm4b:s4+s14], $0x80, s18, s14, $0xb8;
	[tilespmem:$0x1CC00] =	vst v63  }
0x2e: {  	_ =	swait.ge [sflag:s16], $0x4000  }
0x2f: {  	[sflag:s16] =	ssyncset.done $0x0  }
0x30: {  	s18 =	sadd.s32 $0x2800, s18;
	[sflag:s16] =	ssyncadd.s32 $0xFFFFC000  }
0x31: {  	[spmem:s2] =	stream.indirect.scatter.add.f32 [tilespmem:s15], [sflag:$0x2], $0x80, s18, s14, $0xb8;
	[tilespmem:$0x1CC00] =	vst v63  }
0x32: {  	_ =	swait.ge [sflag:s12], $0x4000  }
0x33: {  	s17 =	sadd.s32 $0x1, s17;
	[sflag:s12] =	ssyncset.done $0x0  }
0x34: {  	p0 =	sne.s32 s17, s9;
	[sflag:s12] =	ssyncadd.s32 $0xFFFFC000  }
.Ltmp1:
0x35: {  	[bflag:$0x0] =	sbarrier.arrive $0xFFFF;
	(pc) =	sbr.rel @p0 .LBB2_1-.Ltmp1, $4  }
0x36: {  	[hbm:s10], [sflag:s6] =	dma.local [spmem:s11], $0x2780  }
0x37: {  	_ =	swait.ge [sflag:s12], $0x2780  }
0x38: {  	[sflag:s12] =	ssyncset.done $0x0  }
0x39: {  	[sflag:s12] =	ssyncadd.s32 $0xFFFFD880  }
0x3a: {  	_ =	sfence.sel $0x180000  }
0x3b: {  	[bflag:$0x0] =	sbarrier.arrive $0xFFFF  }
0x3c: {  	p0 =	sne.s32 s0, $0x0;
	_ =	strace $0x9000004D  }
0x3d: {  	s0 =	sadd.s32 @!p0 $0x100000, s1;
	[bflag:$0x2] =	sbarrier.arrive $0xFFFF  }
0x3e: {  	[sflag:s0] =	ssyncadd.tile.s32 @!p0 $0x1;
	_ =	shalt  }
.Lfunc_end2:
_tile_overlayer_lowered:
.L_overlay_start_2:
0x3f: {  	(tag) =	ssettag $0x2  }
0x40: {  	s0 =	rddreg [dreg:$0x0];
	s2 =	stileid.u32  }
0x41: {  	s1 =	rddreg [dreg:$0x1];
	p0 =	sne.s32 s2, $0x0  }
0x42: {  	s3 =	rddreg [dreg:$0x2];
	[bflag:$0x3] =	sbarrier.arrive $0xFFFF;
	s2 =	simm.s32 @!p0 $0x1C02  }
0x43: {  	[timem:s3], [sflag:s2] =	dma.local @!p0 [hbm:s0], s1  }
0x44: {  	s0 =	simm.s32 @!p0 $0x2  }
0x45: {  	_ =	swait.ge @!p0 [sflag:s0], s1  }
0x46: {  	s1 =	ssub.s32 @!p0 $0x0, s1;
	[sflag:s0] =	ssyncset.done @!p0 $0x0  }
0x47: {  	[sflag:s0] =	ssyncadd.s32 @!p0 s1  }
0x48: {  	[bflag:$0x3] =	sbarrier.arrive $0xFFFF  }
0x49: {  	_ =	shalt  }

</sc_bundles>
